<compile_context>
chip_gen: v7x
topology: tpu7x:2x2x1
jax: 0.10.2.dev20260603
libtpu: 0.0.44.dev20260713+nightly
codegen_flags: <defaults>
</compile_context>

<pallas_src>
import functools

import jax
import jax.numpy as jnp
from jax import lax
from jax.experimental import pallas as pl
from jax.experimental.pallas import tpu as pltpu
from jax.experimental.pallas import tpu_sc as plsc

N_NODES = 10000
D = 128
D_H = 256
NC, NS = 2, 16
NW = NC * NS
GROUP = 128
GC = 80
E_PAD = NW * GC * GROUP
N_PAD = 10240
RPT = N_PAD // NS
CW = 128


@functools.lru_cache(maxsize=None)
def _make_seg_sum():
    mesh = plsc.VectorSubcoreMesh(core_axis_name="c", subcore_axis_name="s")

    def body(pk_h, tab_h, out_h, pk_v, srcb, dstb, rows0, rows1,
             acc_sh, sem0, sem1):
        c = lax.axis_index("c")
        s = lax.axis_index("s")
        wid = c * NS + s

        zero16 = jnp.zeros((16,), jnp.float32)
        mask16 = jnp.full((16,), 0xFFFF, jnp.int32)

        @pl.loop(0, GROUP)
        def _(i):
            @pl.loop(0, D // 16)
            def _(j):
                rows0[i, pl.ds(j * 16, 16)] = zero16

        @pl.loop(0, RPT // GROUP)
        def _(j):
            base = s * RPT + j * GROUP
            pltpu.sync_copy(rows0, acc_sh.at[pl.ds(base, GROUP)])

        plsc.subcore_barrier()

        pltpu.sync_copy(pk_h.at[wid], pk_v)

        def unpack(g, slot):
            @pl.loop(0, GROUP // 16)
            def _(k):
                pk = pk_v[g, pl.ds(k * 16, 16)]
                srcb[slot, pl.ds(k * 16, 16)] = pk & mask16
                dstb[slot, pl.ds(k * 16, 16)] = lax.shift_right_logical(pk, 16)

        def gather(slot, buf, sem):
            pltpu.make_async_copy(tab_h.at[srcb.at[slot]], buf, sem).start()

        def gwait(slot, buf, sem):
            pltpu.make_async_copy(tab_h.at[srcb.at[slot]], buf, sem).wait()

        unpack(0, 0)
        unpack(1, 1)
        gather(0, rows0, sem0)
        gather(1, rows1, sem1)

        @pl.loop(0, GC // 2)
        def _(t):
            g0 = 2 * t
            gwait(0, rows0, sem0)
            pltpu.sync_copy(rows0, acc_sh.at[dstb.at[0]], add=True)
            unpack(jnp.minimum(g0 + 2, GC - 2), 0)
            gather(0, rows0, sem0)
            gwait(1, rows1, sem1)
            pltpu.sync_copy(rows1, acc_sh.at[dstb.at[1]], add=True)
            unpack(jnp.minimum(g0 + 3, GC - 1), 1)
            gather(1, rows1, sem1)

        gwait(0, rows0, sem0)
        gwait(1, rows1, sem1)

        plsc.subcore_barrier()

        @pl.loop(0, RPT // GROUP)
        def _(j):
            base = s * RPT + j * GROUP
            pltpu.sync_copy(acc_sh.at[pl.ds(base, GROUP)],
                            out_h.at[c].at[pl.ds(base, GROUP)])

    return pl.kernel(
        body,
        out_type=jax.ShapeDtypeStruct((NC, N_PAD, D), jnp.float32),
        mesh=mesh,
        scratch_types=[
            pltpu.VMEM((GC, GROUP), jnp.int32),
            pltpu.VMEM((2, GROUP), jnp.int32),
            pltpu.VMEM((2, GROUP), jnp.int32),
            pltpu.VMEM((GROUP, D), jnp.float32),
            pltpu.VMEM((GROUP, D), jnp.float32),
            pltpu.VMEM_SHARED((N_PAD, D), jnp.float32),
            pltpu.SemaphoreType.DMA,
            pltpu.SemaphoreType.DMA,
        ])


@functools.lru_cache(maxsize=None)
def _make_counts():
    mesh = plsc.VectorSubcoreMesh(core_axis_name="c", subcore_axis_name="s")

    def body(dst_h, cnt_h, dst_v, ones_v, cnt_sh):
        c = lax.axis_index("c")
        s = lax.axis_index("s")
        wid = c * NS + s

        @pl.loop(0, GROUP)
        def _(i):
            @pl.loop(0, CW // 16)
            def _(j):
                ones_v[i, pl.ds(j * 16, 16)] = jnp.zeros((16,), jnp.float32)

        @pl.loop(0, RPT // GROUP)
        def _(j):
            base = s * RPT + j * GROUP
            pltpu.sync_copy(ones_v, cnt_sh.at[pl.ds(base, GROUP)])

        @pl.loop(0, GROUP)
        def _(i):
            @pl.loop(0, CW // 16)
            def _(j):
                ones_v[i, pl.ds(j * 16, 16)] = jnp.ones((16,), jnp.float32)

        plsc.subcore_barrier()

        pltpu.sync_copy(dst_h.at[wid], dst_v)

        @pl.loop(0, GC)
        def _(g):
            pltpu.sync_copy(ones_v, cnt_sh.at[dst_v.at[g]], add=True)

        plsc.subcore_barrier()

        @pl.loop(0, RPT // GROUP)
        def _(j):
            base = s * RPT + j * GROUP
            pltpu.sync_copy(cnt_sh.at[pl.ds(base, GROUP)],
                            cnt_h.at[c].at[pl.ds(base, GROUP)])

    return pl.kernel(
        body,
        out_type=jax.ShapeDtypeStruct((NC, N_PAD, CW), jnp.float32),
        mesh=mesh,
        scratch_types=[
            pltpu.VMEM((GC, GROUP), jnp.int32),
            pltpu.VMEM((GROUP, CW), jnp.float32),
            pltpu.VMEM_SHARED((N_PAD, CW), jnp.float32),
        ])


BLK = 1024
NBLK = N_PAD // BLK

_DOT = functools.partial(jnp.dot, preferred_element_type=jnp.float32,
                         precision=jax.lax.Precision.HIGHEST)


def _tc1_body(s0, s1, c0, c1, x, w1l, b1, w1r, w2l, h_ref, y_ref):
    cnt = jnp.maximum(c0[...][:, 0:1] + c1[...][:, 0:1], 1.0)
    mean = (s0[...] + s1[...]) / cnt
    acc = _DOT(mean, w1l[...]) + _DOT(x[...], w1r[...]) + b1[...]
    h = jnp.maximum(acc, 0.0)
    h_ref[...] = h
    y_ref[...] = _DOT(h, w2l[...])


def _tc2_body(t0, t1, c0, c1, h, w2r, b2, o_ref):
    cnt = jnp.maximum(c0[...][:, 0:1] + c1[...][:, 0:1], 1.0)
    mean = (t0[...] + t1[...]) / cnt
    o_ref[...] = mean + b2[...] + _DOT(h[...], w2r[...])


def _row_spec(w):
    return pl.BlockSpec((BLK, w), lambda i: (i, 0))


def _full_spec(shape):
    return pl.BlockSpec(shape, lambda i: (0,) * len(shape))


_tc1 = pl.pallas_call(
    _tc1_body,
    grid=(NBLK,),
    in_specs=[
        _row_spec(D), _row_spec(D), _row_spec(CW), _row_spec(CW), _row_spec(D),
        _full_spec((D, D_H)), _full_spec((1, D_H)), _full_spec((D, D_H)),
        _full_spec((D_H, D)),
    ],
    out_specs=[_row_spec(D_H), _row_spec(D)],
    out_shape=[
        jax.ShapeDtypeStruct((N_PAD, D_H), jnp.float32),
        jax.ShapeDtypeStruct((N_PAD, D), jnp.float32),
    ],
)

_tc2 = pl.pallas_call(
    _tc2_body,
    grid=(NBLK,),
    in_specs=[
        _row_spec(D), _row_spec(D), _row_spec(CW), _row_spec(CW),
        _row_spec(D_H), _full_spec((D_H, D)), _full_spec((1, D)),
    ],
    out_specs=_row_spec(D),
    out_shape=jax.ShapeDtypeStruct((N_PAD, D), jnp.float32),
)


def kernel(x, edge_index, W1_l, b1_l, W1_r, W2_l, b2_l, W2_r):
    src = edge_index[0]
    dst = edge_index[1]
    pad = E_PAD - src.shape[0]
    fill = jnp.arange(pad, dtype=jnp.int32)
    src_p = jnp.concatenate([src, fill % N_NODES])
    dst_p = jnp.concatenate([dst, N_NODES + fill % (N_PAD - N_NODES)])
    pk3 = (src_p | (dst_p << 16)).reshape(NW, GC, GROUP)
    x_pad = jnp.zeros((N_PAD, D), jnp.float32).at[:N_NODES].set(x)

    cnts = _make_counts()(dst_p.reshape(NW, GC, GROUP))
    s1 = _make_seg_sum()(pk3, x)
    h_pad, y_pad = _tc1(s1[0], s1[1], cnts[0], cnts[1], x_pad,
                        W1_l.T, b1_l.reshape(1, -1), W1_r.T, W2_l.T)
    s2 = _make_seg_sum()(pk3, y_pad)
    out_pad = _tc2(s2[0], s2[1], cnts[0], cnts[1], h_pad,
                   W2_r.T, b2_l.reshape(1, -1))
    return out_pad[:N_NODES]

# --- scband reference (transcript-rebuilt; emitter-appended) ---
"""Pipeline reference for scband-graph-sagemodel-7928509629054 (READ-ONLY COPY).

The authoritative reference and input builder live on the scoring server;
editing this copy changes nothing except your own understanding.
"""

import jax, jax.numpy as jnp
import numpy as np

N = 10000
E = 320000
D_IN = 128
D_H = 256
D_OUT = 128


def setup_inputs(seed: int = 0) -> dict:
    key = jax.random.key(seed)
    ks = jax.random.split(key, 8)
    x = jax.random.normal(ks[0], (N, D_IN), dtype=jnp.float32)
    edge_index = jax.random.randint(ks[1], (2, E), 0, N, dtype=jnp.int32)
    # SAGEConv layer 1: lin_l (applied to aggregated neighbors, with bias), lin_r (root, no bias)
    W1_l = jax.random.normal(ks[2], (D_H, D_IN), dtype=jnp.float32) * (1.0 / np.sqrt(D_IN))
    b1_l = jnp.zeros((D_H,), dtype=jnp.float32)
    W1_r = jax.random.normal(ks[3], (D_H, D_IN), dtype=jnp.float32) * (1.0 / np.sqrt(D_IN))
    # SAGEConv layer 2
    W2_l = jax.random.normal(ks[4], (D_OUT, D_H), dtype=jnp.float32) * (1.0 / np.sqrt(D_H))
    b2_l = jnp.zeros((D_OUT,), dtype=jnp.float32)
    W2_r = jax.random.normal(ks[5], (D_OUT, D_H), dtype=jnp.float32) * (1.0 / np.sqrt(D_H))
    return {"x": x, "edge_index": edge_index, "W1_l": W1_l, "b1_l": b1_l, "W1_r": W1_r,
            "W2_l": W2_l, "b2_l": b2_l, "W2_r": W2_r}


def _sage_conv(x, edge_index, W_l, b_l, W_r):
    src = edge_index[0]
    dst = edge_index[1]
    msgs = jnp.take(x, src, axis=0)                                   # gather [E, d]
    agg = jax.ops.segment_sum(msgs, dst, num_segments=x.shape[0])     # scatter-add
    cnt = jax.ops.segment_sum(jnp.ones((msgs.shape[0],), x.dtype), dst, num_segments=x.shape[0])
    mean = agg / jnp.clip(cnt, 1.0)[:, None]                          # mean aggregation
    return mean @ W_l.T + b_l + x @ W_r.T


def reference(x, edge_index, W1_l, b1_l, W1_r, W2_l, b2_l, W2_r):
    h = _sage_conv(x, edge_index, W1_l, b1_l, W1_r)
    h = jax.nn.relu(h)
    out = _sage_conv(h, edge_index, W2_l, b2_l, W2_r)
    return out

if __name__ == "__main__":
    import jax
    _d = setup_inputs()
    print(jax.jit(kernel)(*tuple(_d.values())))

</pallas_src>

<mosaic_0001>
#map = affine_map<(d0, d1) -> (0, 0, 0)>
module attributes {stable_mosaic.version = 14 : i64} {
  func.func @body(%arg0: i32, %arg1: i32, %arg2: memref<32x80x128xi32, #tpu.memory_space<hbm>>, %arg3: memref<2x10240x128xf32, #tpu.memory_space<hbm>>, %arg4: memref<80x128xi32, #tpu.memory_space<vmem>>, %arg5: memref<128x128xf32, #tpu.memory_space<vmem>>, %arg6: memref<10240x128xf32, #tpu.memory_space<vmem_shared>>) attributes {dimension_semantics = [#tpu.dimension_semantics<core_parallel>, #tpu.dimension_semantics<subcore_parallel>], iteration_bounds = array<i64: 2, 16>, scalar_prefetch = 0 : i64, scratch_operands = 3 : i64, tpu.core_type = #tpu.core_type<sc_vector_subcore>, window_params = [{transform_indices = #map}, {transform_indices = #map}]} {
    %mul3A = arith.constant 16 : i32
    %mul3A_0 = arith.muli %arg0, %mul3A : i32
    %add3A = arith.addi %mul3A_0, %arg1 : i32
    %scan3A = arith.constant 0 : i32
    %scan3A_1 = arith.constant 128 : i32
    %scan3A_2 = arith.addi %scan3A, %scan3A_1 : i32
    %scan3A_3 = arith.constant 1 : i32
    scf.for %scan3A_26 = %scan3A to %scan3A_2 step %scan3A_3  : i32 {
      %mul3A_27 = arith.constant 1 : i32
      %mul3A_28 = arith.muli %scan3A_26, %mul3A_27 : i32
      %add3A_29 = arith.constant 0 : i32
      %add3A_30 = arith.addi %add3A_29, %mul3A_28 : i32
      %scan3A_31 = arith.constant 0 : i32
      %scan3A_32 = arith.constant 8 : i32
      %scan3A_33 = arith.addi %scan3A_31, %scan3A_32 : i32
      %scan3A_34 = arith.constant 1 : i32
      scf.for %scan3A_36 = %scan3A_31 to %scan3A_33 step %scan3A_34  : i32 {
        %mul3A_37 = arith.constant 1 : i32
        %mul3A_38 = arith.muli %scan3A_36, %mul3A_37 : i32
        %add3A_39 = arith.constant 0 : i32
        %add3A_40 = arith.addi %add3A_39, %mul3A_38 : i32
        %broadcast_in_dim3A = arith.constant 0.000000e+00 : f32
        %broadcast_in_dim3A_41 = vector.broadcast %broadcast_in_dim3A : f32 to vector<16xf32>
        %mul3A_42 = arith.constant 16 : i32
        %mul3A_43 = arith.muli %add3A_40, %mul3A_42 : i32
        %swap3A = arith.index_cast %add3A_30 : i32 to index
        %swap3A_44 = arith.index_cast %mul3A_43 : i32 to index
        %swap3A_45 = tpu.vector_load %arg5[%swap3A, %swap3A_44] {strides = array<i32>} : memref<128x128xf32, #tpu.memory_space<vmem>>, vector<1x16xf32>,
        %swap3A_46 = vector.shape_cast %swap3A_45 : vector<1x16xf32> to vector<16xf32>
        %swap3A_47 = vector.shape_cast %broadcast_in_dim3A_41 : vector<16xf32> to vector<1x16xf32>
        tpu.vector_store %arg5[%swap3A, %swap3A_44], %swap3A_47 {strides = array<i32>} : memref<128x128xf32, #tpu.memory_space<vmem>>, vector<1x16xf32>,
      }
      %scan3A_35 = arith.constant 8 : i32
    }
    %scan3A_4 = arith.constant 128 : i32
    %scan3A_5 = arith.constant 0 : i32
    %scan3A_6 = arith.constant 5 : i32
    %scan3A_7 = arith.addi %scan3A_5, %scan3A_6 : i32
    %scan3A_8 = arith.constant 1 : i32
    scf.for %scan3A_26 = %scan3A_5 to %scan3A_7 step %scan3A_8  : i32 {
      %mul3A_27 = arith.constant 1 : i32
      %mul3A_28 = arith.muli %scan3A_26, %mul3A_27 : i32
      %add3A_29 = arith.constant 0 : i32
      %add3A_30 = arith.addi %add3A_29, %mul3A_28 : i32
      %mul3A_31 = arith.constant 640 : i32
      %mul3A_32 = arith.muli %arg1, %mul3A_31 : i32
      %mul3A_33 = arith.constant 128 : i32
      %mul3A_34 = arith.muli %add3A_30, %mul3A_33 : i32
      %add3A_35 = arith.addi %mul3A_32, %mul3A_34 : i32
      "tpu.region"() ({
        %run_scoped3A = tpu.sem_alloc : memref<!tpu.dma_semaphore, #tpu.memory_space<semaphore_mem>>
        %dma_start3A = arith.constant 0 : i32
        %dma_start3A_36 = tpu.memref_slice %arg6[%add3A_35, %dma_start3A] : memref<10240x128xf32, #tpu.memory_space<vmem_shared>> -> memref<128x128xf32, #tpu.memory_space<vmem_shared>>
        %dma_start3A_37 = arith.constant 0 : i32
        %dma_start3A_38 = tpu.memref_slice %arg6[%add3A_35, %dma_start3A_37] : memref<10240x128xf32, #tpu.memory_space<vmem_shared>> -> memref<128x128xf32, #tpu.memory_space<vmem_shared>>
        tpu.enqueue_dma source(%arg5 : memref<128x128xf32, #tpu.memory_space<vmem>>) target(%dma_start3A_38 : memref<128x128xf32, #tpu.memory_space<vmem_shared>>) target_semaphore(%run_scoped3A : memref<!tpu.dma_semaphore, #tpu.memory_space<semaphore_mem>>)
        %dma_wait3A = arith.constant 0 : i32
        %dma_wait3A_39 = tpu.memref_slice %arg6[%add3A_35, %dma_wait3A] : memref<10240x128xf32, #tpu.memory_space<vmem_shared>> -> memref<128x128xf32, #tpu.memory_space<vmem_shared>>
        %dma_wait3A_40 = arith.constant 0 : i32
        %dma_wait3A_41 = tpu.memref_slice %arg6[%add3A_35, %dma_wait3A_40] : memref<10240x128xf32, #tpu.memory_space<vmem_shared>> -> memref<128x128xf32, #tpu.memory_space<vmem_shared>>
        tpu.wait_dma2 semaphore(%run_scoped3A : memref<!tpu.dma_semaphore, #tpu.memory_space<semaphore_mem>>) src(%arg5 : memref<128x128xf32, #tpu.memory_space<vmem>>) dst(%dma_wait3A_41 : memref<128x128xf32, #tpu.memory_space<vmem_shared>>)
        tpu.yield
      }) : () -> ()
    }
    %scan3A_9 = arith.constant 5 : i32
    %scan3A_10 = arith.constant 0 : i32
    %scan3A_11 = arith.constant 128 : i32
    %scan3A_12 = arith.addi %scan3A_10, %scan3A_11 : i32
    %scan3A_13 = arith.constant 1 : i32
    scf.for %scan3A_26 = %scan3A_10 to %scan3A_12 step %scan3A_13  : i32 {
      %mul3A_27 = arith.constant 1 : i32
      %mul3A_28 = arith.muli %scan3A_26, %mul3A_27 : i32
      %add3A_29 = arith.constant 0 : i32
      %add3A_30 = arith.addi %add3A_29, %mul3A_28 : i32
      %scan3A_31 = arith.constant 0 : i32
      %scan3A_32 = arith.constant 8 : i32
      %scan3A_33 = arith.addi %scan3A_31, %scan3A_32 : i32
      %scan3A_34 = arith.constant 1 : i32
      scf.for %scan3A_36 = %scan3A_31 to %scan3A_33 step %scan3A_34  : i32 {
        %mul3A_37 = arith.constant 1 : i32
        %mul3A_38 = arith.muli %scan3A_36, %mul3A_37 : i32
        %add3A_39 = arith.constant 0 : i32
        %add3A_40 = arith.addi %add3A_39, %mul3A_38 : i32
        %broadcast_in_dim3A = arith.constant 1.000000e+00 : f32
        %broadcast_in_dim3A_41 = vector.broadcast %broadcast_in_dim3A : f32 to vector<16xf32>
        %mul3A_42 = arith.constant 16 : i32
        %mul3A_43 = arith.muli %add3A_40, %mul3A_42 : i32
        %swap3A = arith.index_cast %add3A_30 : i32 to index
        %swap3A_44 = arith.index_cast %mul3A_43 : i32 to index
        %swap3A_45 = tpu.vector_load %arg5[%swap3A, %swap3A_44] {strides = array<i32>} : memref<128x128xf32, #tpu.memory_space<vmem>>, vector<1x16xf32>,
        %swap3A_46 = vector.shape_cast %swap3A_45 : vector<1x16xf32> to vector<16xf32>
        %swap3A_47 = vector.shape_cast %broadcast_in_dim3A_41 : vector<16xf32> to vector<1x16xf32>
        tpu.vector_store %arg5[%swap3A, %swap3A_44], %swap3A_47 {strides = array<i32>} : memref<128x128xf32, #tpu.memory_space<vmem>>, vector<1x16xf32>,
      }
      %scan3A_35 = arith.constant 8 : i32
    }
    %scan3A_14 = arith.constant 128 : i32
    %barrier3A = arith.constant 0 : index
    tpu.barrier barrier_id(%barrier3A)
    "tpu.region"() ({
      %run_scoped3A = tpu.sem_alloc : memref<!tpu.dma_semaphore, #tpu.memory_space<semaphore_mem>>
      %dma_start3A = arith.constant 0 : i32
      %dma_start3A_26 = arith.constant 0 : i32
      %dma_start3A_27 = tpu.memref_slice %arg2[%add3A, %dma_start3A, %dma_start3A_26] : memref<32x80x128xi32, #tpu.memory_space<hbm>> -> memref<1x80x128xi32, #tpu.memory_space<hbm>>
      %dma_start3A_28 = tpu.memref_squeeze %dma_start3A_27 : memref<1x80x128xi32, #tpu.memory_space<hbm>> -> memref<80x128xi32, #tpu.memory_space<hbm>>
      %dma_start3A_29 = arith.constant 0 : i32
      %dma_start3A_30 = arith.constant 0 : i32
      %dma_start3A_31 = tpu.memref_slice %arg2[%add3A, %dma_start3A_29, %dma_start3A_30] : memref<32x80x128xi32, #tpu.memory_space<hbm>> -> memref<1x80x128xi32, #tpu.memory_space<hbm>>
      %dma_start3A_32 = tpu.memref_squeeze %dma_start3A_31 : memref<1x80x128xi32, #tpu.memory_space<hbm>> -> memref<80x128xi32, #tpu.memory_space<hbm>>
      tpu.enqueue_dma source(%dma_start3A_32 : memref<80x128xi32, #tpu.memory_space<hbm>>) target(%arg4 : memref<80x128xi32, #tpu.memory_space<vmem>>) target_semaphore(%run_scoped3A : memref<!tpu.dma_semaphore, #tpu.memory_space<semaphore_mem>>)
      %dma_wait3A = arith.constant 0 : i32
      %dma_wait3A_33 = arith.constant 0 : i32
      %dma_wait3A_34 = tpu.memref_slice %arg2[%add3A, %dma_wait3A, %dma_wait3A_33] : memref<32x80x128xi32, #tpu.memory_space<hbm>> -> memref<1x80x128xi32, #tpu.memory_space<hbm>>
      %dma_wait3A_35 = tpu.memref_squeeze %dma_wait3A_34 : memref<1x80x128xi32, #tpu.memory_space<hbm>> -> memref<80x128xi32, #tpu.memory_space<hbm>>
      %dma_wait3A_36 = arith.constant 0 : i32
      %dma_wait3A_37 = arith.constant 0 : i32
      %dma_wait3A_38 = tpu.memref_slice %arg2[%add3A, %dma_wait3A_36, %dma_wait3A_37] : memref<32x80x128xi32, #tpu.memory_space<hbm>> -> memref<1x80x128xi32, #tpu.memory_space<hbm>>
      %dma_wait3A_39 = tpu.memref_squeeze %dma_wait3A_38 : memref<1x80x128xi32, #tpu.memory_space<hbm>> -> memref<80x128xi32, #tpu.memory_space<hbm>>
      tpu.wait_dma2 semaphore(%run_scoped3A : memref<!tpu.dma_semaphore, #tpu.memory_space<semaphore_mem>>) src(%dma_wait3A_39 : memref<80x128xi32, #tpu.memory_space<hbm>>) dst(%arg4 : memref<80x128xi32, #tpu.memory_space<vmem>>)
      tpu.yield
    }) : () -> ()
    %scan3A_15 = arith.constant 0 : i32
    %scan3A_16 = arith.constant 80 : i32
    %scan3A_17 = arith.addi %scan3A_15, %scan3A_16 : i32
    %scan3A_18 = arith.constant 1 : i32
    scf.for %scan3A_26 = %scan3A_15 to %scan3A_17 step %scan3A_18  : i32 {
      %mul3A_27 = arith.constant 1 : i32
      %mul3A_28 = arith.muli %scan3A_26, %mul3A_27 : i32
      %add3A_29 = arith.constant 0 : i32
      %add3A_30 = arith.addi %add3A_29, %mul3A_28 : i32
      "tpu.region"() ({
        %run_scoped3A = tpu.sem_alloc : memref<!tpu.dma_semaphore, #tpu.memory_space<semaphore_mem>>
        %dma_start3A = arith.constant 0 : i32
        %dma_start3A_31 = tpu.memref_slice %arg4[%add3A_30, %dma_start3A] : memref<80x128xi32, #tpu.memory_space<vmem>> -> memref<1x128xi32, #tpu.memory_space<vmem>>
        %dma_start3A_32 = tpu.memref_squeeze %dma_start3A_31 : memref<1x128xi32, #tpu.memory_space<vmem>> -> memref<128xi32, #tpu.memory_space<vmem>>
        %dma_start3A_33 = arith.constant 0 : i32
        %dma_start3A_34 = arith.constant 0 : i32
        %dma_start3A_35 = tpu.memref_slice %arg6[%dma_start3A_33, %dma_start3A_34] : memref<10240x128xf32, #tpu.memory_space<vmem_shared>> -> memref<10240x128xf32, #tpu.memory_space<vmem_shared>>
        tpu.enqueue_indirect_dma source(%arg5 : memref<128x128xf32, #tpu.memory_space<vmem>>) target(%dma_start3A_35 : memref<10240x128xf32, #tpu.memory_space<vmem_shared>>) offsets(%dma_start3A_32 : memref<128xi32, #tpu.memory_space<vmem>>) semaphore(%run_scoped3A : memref<!tpu.dma_semaphore, #tpu.memory_space<semaphore_mem>>) {add = true}
        %dma_wait3A = arith.constant 0 : i32
        %dma_wait3A_36 = tpu.memref_slice %arg4[%add3A_30, %dma_wait3A] : memref<80x128xi32, #tpu.memory_space<vmem>> -> memref<1x128xi32, #tpu.memory_space<vmem>>
        %dma_wait3A_37 = tpu.memref_squeeze %dma_wait3A_36 : memref<1x128xi32, #tpu.memory_space<vmem>> -> memref<128xi32, #tpu.memory_space<vmem>>
        %dma_wait3A_38 = arith.constant 0 : i32
        %dma_wait3A_39 = arith.constant 0 : i32
        %dma_wait3A_40 = tpu.memref_slice %arg6[%dma_wait3A_38, %dma_wait3A_39] : memref<10240x128xf32, #tpu.memory_space<vmem_shared>> -> memref<10240x128xf32, #tpu.memory_space<vmem_shared>>
        tpu.wait_indirect_dma semaphore(%run_scoped3A : memref<!tpu.dma_semaphore, #tpu.memory_space<semaphore_mem>>) src(%arg5 : memref<128x128xf32, #tpu.memory_space<vmem>>) dst(%dma_wait3A_40 : memref<10240x128xf32, #tpu.memory_space<vmem_shared>>)
        tpu.yield
      }) : () -> ()
    }
    %scan3A_19 = arith.constant 80 : i32
    %barrier3A_20 = arith.constant 0 : index
    tpu.barrier barrier_id(%barrier3A_20)
    %scan3A_21 = arith.constant 0 : i32
    %scan3A_22 = arith.constant 5 : i32
    %scan3A_23 = arith.addi %scan3A_21, %scan3A_22 : i32
    %scan3A_24 = arith.constant 1 : i32
    scf.for %scan3A_26 = %scan3A_21 to %scan3A_23 step %scan3A_24  : i32 {
      %mul3A_27 = arith.constant 1 : i32
      %mul3A_28 = arith.muli %scan3A_26, %mul3A_27 : i32
      %add3A_29 = arith.constant 0 : i32
      %add3A_30 = arith.addi %add3A_29, %mul3A_28 : i32
      %mul3A_31 = arith.constant 640 : i32
      %mul3A_32 = arith.muli %arg1, %mul3A_31 : i32
      %mul3A_33 = arith.constant 128 : i32
      %mul3A_34 = arith.muli %add3A_30, %mul3A_33 : i32
      %add3A_35 = arith.addi %mul3A_32, %mul3A_34 : i32
      "tpu.region"() ({
        %run_scoped3A = tpu.sem_alloc : memref<!tpu.dma_semaphore, #tpu.memory_space<semaphore_mem>>
        %dma_start3A = arith.constant 0 : i32
        %dma_start3A_36 = arith.constant 0 : i32
        %dma_start3A_37 = tpu.memref_slice %arg3[%arg0, %dma_start3A, %dma_start3A_36] : memref<2x10240x128xf32, #tpu.memory_space<hbm>> -> memref<1x10240x128xf32, #tpu.memory_space<hbm>>
        %dma_start3A_38 = tpu.memref_squeeze %dma_start3A_37 : memref<1x10240x128xf32, #tpu.memory_space<hbm>> -> memref<10240x128xf32, #tpu.memory_space<hbm>>
        %dma_start3A_39 = arith.constant 0 : i32
        %dma_start3A_40 = tpu.memref_slice %dma_start3A_38[%add3A_35, %dma_start3A_39] : memref<10240x128xf32, #tpu.memory_space<hbm>> -> memref<128x128xf32, #tpu.memory_space<hbm>>
        %dma_start3A_41 = arith.constant 0 : i32
        %dma_start3A_42 = tpu.memref_slice %arg6[%add3A_35, %dma_start3A_41] : memref<10240x128xf32, #tpu.memory_space<vmem_shared>> -> memref<128x128xf32, #tpu.memory_space<vmem_shared>>
        tpu.enqueue_dma source(%dma_start3A_42 : memref<128x128xf32, #tpu.memory_space<vmem_shared>>) target(%dma_start3A_40 : memref<128x128xf32, #tpu.memory_space<hbm>>) target_semaphore(%run_scoped3A : memref<!tpu.dma_semaphore, #tpu.memory_space<semaphore_mem>>)
        %dma_wait3A = arith.constant 0 : i32
        %dma_wait3A_43 = arith.constant 0 : i32
        %dma_wait3A_44 = tpu.memref_slice %arg3[%arg0, %dma_wait3A, %dma_wait3A_43] : memref<2x10240x128xf32, #tpu.memory_space<hbm>> -> memref<1x10240x128xf32, #tpu.memory_space<hbm>>
        %dma_wait3A_45 = tpu.memref_squeeze %dma_wait3A_44 : memref<1x10240x128xf32, #tpu.memory_space<hbm>> -> memref<10240x128xf32, #tpu.memory_space<hbm>>
        %dma_wait3A_46 = arith.constant 0 : i32
        %dma_wait3A_47 = tpu.memref_slice %dma_wait3A_45[%add3A_35, %dma_wait3A_46] : memref<10240x128xf32, #tpu.memory_space<hbm>> -> memref<128x128xf32, #tpu.memory_space<hbm>>
        %dma_wait3A_48 = arith.constant 0 : i32
        %dma_wait3A_49 = tpu.memref_slice %arg6[%add3A_35, %dma_wait3A_48] : memref<10240x128xf32, #tpu.memory_space<vmem_shared>> -> memref<128x128xf32, #tpu.memory_space<vmem_shared>>
        tpu.wait_dma2 semaphore(%run_scoped3A : memref<!tpu.dma_semaphore, #tpu.memory_space<semaphore_mem>>) src(%dma_wait3A_49 : memref<128x128xf32, #tpu.memory_space<vmem_shared>>) dst(%dma_wait3A_47 : memref<128x128xf32, #tpu.memory_space<hbm>>)
        tpu.yield
      }) : () -> ()
    }
    %scan3A_25 = arith.constant 5 : i32
    return
  }
}

#map = affine_map<(d0, d1) -> (0, 0, 0)>
#map1 = affine_map<(d0, d1) -> (0, 0)>
module attributes {stable_mosaic.version = 14 : i64} {
  func.func @body(%arg0: i32, %arg1: i32, %arg2: memref<32x80x128xi32, #tpu.memory_space<hbm>>, %arg3: memref<10240x128xf32, #tpu.memory_space<hbm>>, %arg4: memref<2x10240x128xf32, #tpu.memory_space<hbm>>, %arg5: memref<80x128xi32, #tpu.memory_space<vmem>>, %arg6: memref<2x128xi32, #tpu.memory_space<vmem>>, %arg7: memref<2x128xi32, #tpu.memory_space<vmem>>, %arg8: memref<128x128xf32, #tpu.memory_space<vmem>>, %arg9: memref<128x128xf32, #tpu.memory_space<vmem>>, %arg10: memref<10240x128xf32, #tpu.memory_space<vmem_shared>>, %arg11: memref<!tpu.dma_semaphore, #tpu.memory_space<semaphore_mem>>, %arg12: memref<!tpu.dma_semaphore, #tpu.memory_space<semaphore_mem>>) attributes {dimension_semantics = [#tpu.dimension_semantics<core_parallel>, #tpu.dimension_semantics<subcore_parallel>], iteration_bounds = array<i64: 2, 16>, scalar_prefetch = 0 : i64, scratch_operands = 8 : i64, tpu.core_type = #tpu.core_type<sc_vector_subcore>, window_params = [{transform_indices = #map}, {transform_indices = #map1}, {transform_indices = #map}]} {
    %mul3A = arith.constant 16 : i32
    %mul3A_0 = arith.muli %arg0, %mul3A : i32
    %add3A = arith.addi %mul3A_0, %arg1 : i32
    %broadcast_in_dim3A = arith.constant 0.000000e+00 : f32
    %broadcast_in_dim3A_1 = vector.broadcast %broadcast_in_dim3A : f32 to vector<16xf32>
    %broadcast_in_dim3A_2 = arith.constant 65535 : i32
    %broadcast_in_dim3A_3 = vector.broadcast %broadcast_in_dim3A_2 : i32 to vector<16xi32>
    %scan3A = arith.constant 0 : i32
    %scan3A_4 = arith.constant 128 : i32
    %scan3A_5 = arith.addi %scan3A, %scan3A_4 : i32
    %scan3A_6 = arith.constant 1 : i32
    scf.for %scan3A_60 = %scan3A to %scan3A_5 step %scan3A_6  : i32 {
      %mul3A_61 = arith.constant 1 : i32
      %mul3A_62 = arith.muli %scan3A_60, %mul3A_61 : i32
      %add3A_63 = arith.constant 0 : i32
      %add3A_64 = arith.addi %add3A_63, %mul3A_62 : i32
      %scan3A_65 = arith.constant 0 : i32
      %scan3A_66 = arith.constant 8 : i32
      %scan3A_67 = arith.addi %scan3A_65, %scan3A_66 : i32
      %scan3A_68 = arith.constant 1 : i32
      scf.for %scan3A_70 = %scan3A_65 to %scan3A_67 step %scan3A_68  : i32 {
        %mul3A_71 = arith.constant 1 : i32
        %mul3A_72 = arith.muli %scan3A_70, %mul3A_71 : i32
        %add3A_73 = arith.constant 0 : i32
        %add3A_74 = arith.addi %add3A_73, %mul3A_72 : i32
        %mul3A_75 = arith.constant 16 : i32
        %mul3A_76 = arith.muli %add3A_74, %mul3A_75 : i32
        %swap3A = arith.index_cast %add3A_64 : i32 to index
        %swap3A_77 = arith.index_cast %mul3A_76 : i32 to index
        %swap3A_78 = tpu.vector_load %arg8[%swap3A, %swap3A_77] {strides = array<i32>} : memref<128x128xf32, #tpu.memory_space<vmem>>, vector<1x16xf32>,
        %swap3A_79 = vector.shape_cast %swap3A_78 : vector<1x16xf32> to vector<16xf32>
        %swap3A_80 = vector.shape_cast %broadcast_in_dim3A_1 : vector<16xf32> to vector<1x16xf32>
        tpu.vector_store %arg8[%swap3A, %swap3A_77], %swap3A_80 {strides = array<i32>} : memref<128x128xf32, #tpu.memory_space<vmem>>, vector<1x16xf32>,
      }
      %scan3A_69 = arith.constant 8 : i32
    }
    %scan3A_7 = arith.constant 128 : i32
    %scan3A_8 = arith.constant 0 : i32
    %scan3A_9 = arith.constant 5 : i32
    %scan3A_10 = arith.addi %scan3A_8, %scan3A_9 : i32
    %scan3A_11 = arith.constant 1 : i32
    scf.for %scan3A_60 = %scan3A_8 to %scan3A_10 step %scan3A_11  : i32 {
      %mul3A_61 = arith.constant 1 : i32
      %mul3A_62 = arith.muli %scan3A_60, %mul3A_61 : i32
      %add3A_63 = arith.constant 0 : i32
      %add3A_64 = arith.addi %add3A_63, %mul3A_62 : i32
      %mul3A_65 = arith.constant 640 : i32
      %mul3A_66 = arith.muli %arg1, %mul3A_65 : i32
      %mul3A_67 = arith.constant 128 : i32
      %mul3A_68 = arith.muli %add3A_64, %mul3A_67 : i32
      %add3A_69 = arith.addi %mul3A_66, %mul3A_68 : i32
      "tpu.region"() ({
        %run_scoped3A = tpu.sem_alloc : memref<!tpu.dma_semaphore, #tpu.memory_space<semaphore_mem>>
        %dma_start3A_70 = arith.constant 0 : i32
        %dma_start3A_71 = tpu.memref_slice %arg10[%add3A_69, %dma_start3A_70] : memref<10240x128xf32, #tpu.memory_space<vmem_shared>> -> memref<128x128xf32, #tpu.memory_space<vmem_shared>>
        %dma_start3A_72 = arith.constant 0 : i32
        %dma_start3A_73 = tpu.memref_slice %arg10[%add3A_69, %dma_start3A_72] : memref<10240x128xf32, #tpu.memory_space<vmem_shared>> -> memref<128x128xf32, #tpu.memory_space<vmem_shared>>
        tpu.enqueue_dma source(%arg8 : memref<128x128xf32, #tpu.memory_space<vmem>>) target(%dma_start3A_73 : memref<128x128xf32, #tpu.memory_space<vmem_shared>>) target_semaphore(%run_scoped3A : memref<!tpu.dma_semaphore, #tpu.memory_space<semaphore_mem>>)
        %dma_wait3A_74 = arith.constant 0 : i32
        %dma_wait3A_75 = tpu.memref_slice %arg10[%add3A_69, %dma_wait3A_74] : memref<10240x128xf32, #tpu.memory_space<vmem_shared>> -> memref<128x128xf32, #tpu.memory_space<vmem_shared>>
        %dma_wait3A_76 = arith.constant 0 : i32
        %dma_wait3A_77 = tpu.memref_slice %arg10[%add3A_69, %dma_wait3A_76] : memref<10240x128xf32, #tpu.memory_space<vmem_shared>> -> memref<128x128xf32, #tpu.memory_space<vmem_shared>>
        tpu.wait_dma2 semaphore(%run_scoped3A : memref<!tpu.dma_semaphore, #tpu.memory_space<semaphore_mem>>) src(%arg8 : memref<128x128xf32, #tpu.memory_space<vmem>>) dst(%dma_wait3A_77 : memref<128x128xf32, #tpu.memory_space<vmem_shared>>)
        tpu.yield
      }) : () -> ()
    }
    %scan3A_12 = arith.constant 5 : i32
    %barrier3A = arith.constant 0 : index
    tpu.barrier barrier_id(%barrier3A)
    "tpu.region"() ({
      %run_scoped3A = tpu.sem_alloc : memref<!tpu.dma_semaphore, #tpu.memory_space<semaphore_mem>>
      %dma_start3A_60 = arith.constant 0 : i32
      %dma_start3A_61 = arith.constant 0 : i32
      %dma_start3A_62 = tpu.memref_slice %arg2[%add3A, %dma_start3A_60, %dma_start3A_61] : memref<32x80x128xi32, #tpu.memory_space<hbm>> -> memref<1x80x128xi32, #tpu.memory_space<hbm>>
      %dma_start3A_63 = tpu.memref_squeeze %dma_start3A_62 : memref<1x80x128xi32, #tpu.memory_space<hbm>> -> memref<80x128xi32, #tpu.memory_space<hbm>>
      %dma_start3A_64 = arith.constant 0 : i32
      %dma_start3A_65 = arith.constant 0 : i32
      %dma_start3A_66 = tpu.memref_slice %arg2[%add3A, %dma_start3A_64, %dma_start3A_65] : memref<32x80x128xi32, #tpu.memory_space<hbm>> -> memref<1x80x128xi32, #tpu.memory_space<hbm>>
      %dma_start3A_67 = tpu.memref_squeeze %dma_start3A_66 : memref<1x80x128xi32, #tpu.memory_space<hbm>> -> memref<80x128xi32, #tpu.memory_space<hbm>>
      tpu.enqueue_dma source(%dma_start3A_67 : memref<80x128xi32, #tpu.memory_space<hbm>>) target(%arg5 : memref<80x128xi32, #tpu.memory_space<vmem>>) target_semaphore(%run_scoped3A : memref<!tpu.dma_semaphore, #tpu.memory_space<semaphore_mem>>)
      %dma_wait3A_68 = arith.constant 0 : i32
      %dma_wait3A_69 = arith.constant 0 : i32
      %dma_wait3A_70 = tpu.memref_slice %arg2[%add3A, %dma_wait3A_68, %dma_wait3A_69] : memref<32x80x128xi32, #tpu.memory_space<hbm>> -> memref<1x80x128xi32, #tpu.memory_space<hbm>>
      %dma_wait3A_71 = tpu.memref_squeeze %dma_wait3A_70 : memref<1x80x128xi32, #tpu.memory_space<hbm>> -> memref<80x128xi32, #tpu.memory_space<hbm>>
      %dma_wait3A_72 = arith.constant 0 : i32
      %dma_wait3A_73 = arith.constant 0 : i32
      %dma_wait3A_74 = tpu.memref_slice %arg2[%add3A, %dma_wait3A_72, %dma_wait3A_73] : memref<32x80x128xi32, #tpu.memory_space<hbm>> -> memref<1x80x128xi32, #tpu.memory_space<hbm>>
      %dma_wait3A_75 = tpu.memref_squeeze %dma_wait3A_74 : memref<1x80x128xi32, #tpu.memory_space<hbm>> -> memref<80x128xi32, #tpu.memory_space<hbm>>
      tpu.wait_dma2 semaphore(%run_scoped3A : memref<!tpu.dma_semaphore, #tpu.memory_space<semaphore_mem>>) src(%dma_wait3A_75 : memref<80x128xi32, #tpu.memory_space<hbm>>) dst(%arg5 : memref<80x128xi32, #tpu.memory_space<vmem>>)
      tpu.yield
    }) : () -> ()
    %scan3A_13 = arith.constant 0 : i32
    %scan3A_14 = arith.constant 8 : i32
    %scan3A_15 = arith.addi %scan3A_13, %scan3A_14 : i32
    %scan3A_16 = arith.constant 1 : i32
    scf.for %scan3A_60 = %scan3A_13 to %scan3A_15 step %scan3A_16  : i32 {
      %mul3A_61 = arith.constant 1 : i32
      %mul3A_62 = arith.muli %scan3A_60, %mul3A_61 : i32
      %add3A_63 = arith.constant 0 : i32
      %add3A_64 = arith.addi %add3A_63, %mul3A_62 : i32
      %mul3A_65 = arith.constant 16 : i32
      %mul3A_66 = arith.muli %add3A_64, %mul3A_65 : i32
      %get3A = arith.constant 0 : i32
      %get3A_67 = arith.index_cast %get3A : i32 to index
      %get3A_68 = arith.index_cast %mul3A_66 : i32 to index
      %get3A_69 = tpu.vector_load %arg5[%get3A_67, %get3A_68] {strides = array<i32>} : memref<80x128xi32, #tpu.memory_space<vmem>>, vector<1x16xi32>,
      %get3A_70 = vector.shape_cast %get3A_69 : vector<1x16xi32> to vector<16xi32>
      %and3A = arith.andi %get3A_70, %broadcast_in_dim3A_3 : vector<16xi32>
      %mul3A_71 = arith.constant 16 : i32
      %mul3A_72 = arith.muli %add3A_64, %mul3A_71 : i32
      %swap3A = arith.constant 0 : i32
      %swap3A_73 = arith.index_cast %swap3A : i32 to index
      %swap3A_74 = arith.index_cast %mul3A_72 : i32 to index
      %swap3A_75 = tpu.vector_load %arg6[%swap3A_73, %swap3A_74] {strides = array<i32>} : memref<2x128xi32, #tpu.memory_space<vmem>>, vector<1x16xi32>,
      %swap3A_76 = vector.shape_cast %swap3A_75 : vector<1x16xi32> to vector<16xi32>
      %swap3A_77 = vector.shape_cast %and3A : vector<16xi32> to vector<1x16xi32>
      tpu.vector_store %arg6[%swap3A_73, %swap3A_74], %swap3A_77 {strides = array<i32>} : memref<2x128xi32, #tpu.memory_space<vmem>>, vector<1x16xi32>,
      %shift_right_logical3A = arith.constant 16 : i32
      %shift_right_logical3A_78 = vector.broadcast %shift_right_logical3A : i32 to vector<16xi32>
      %shift_right_logical3A_79 = arith.shrui %get3A_70, %shift_right_logical3A_78 : vector<16xi32>
      %mul3A_80 = arith.constant 16 : i32
      %mul3A_81 = arith.muli %add3A_64, %mul3A_80 : i32
      %swap3A_82 = arith.constant 0 : i32
      %swap3A_83 = arith.index_cast %swap3A_82 : i32 to index
      %swap3A_84 = arith.index_cast %mul3A_81 : i32 to index
      %swap3A_85 = tpu.vector_load %arg7[%swap3A_83, %swap3A_84] {strides = array<i32>} : memref<2x128xi32, #tpu.memory_space<vmem>>, vector<1x16xi32>,
      %swap3A_86 = vector.shape_cast %swap3A_85 : vector<1x16xi32> to vector<16xi32>
      %swap3A_87 = vector.shape_cast %shift_right_logical3A_79 : vector<16xi32> to vector<1x16xi32>
      tpu.vector_store %arg7[%swap3A_83, %swap3A_84], %swap3A_87 {strides = array<i32>} : memref<2x128xi32, #tpu.memory_space<vmem>>, vector<1x16xi32>,
    }
    %scan3A_17 = arith.constant 8 : i32
    %scan3A_18 = arith.constant 0 : i32
    %scan3A_19 = arith.constant 8 : i32
    %scan3A_20 = arith.addi %scan3A_18, %scan3A_19 : i32
    %scan3A_21 = arith.constant 1 : i32
    scf.for %scan3A_60 = %scan3A_18 to %scan3A_20 step %scan3A_21  : i32 {
      %mul3A_61 = arith.constant 1 : i32
      %mul3A_62 = arith.muli %scan3A_60, %mul3A_61 : i32
      %add3A_63 = arith.constant 0 : i32
      %add3A_64 = arith.addi %add3A_63, %mul3A_62 : i32
      %mul3A_65 = arith.constant 16 : i32
      %mul3A_66 = arith.muli %add3A_64, %mul3A_65 : i32
      %get3A = arith.constant 1 : i32
      %get3A_67 = arith.index_cast %get3A : i32 to index
      %get3A_68 = arith.index_cast %mul3A_66 : i32 to index
      %get3A_69 = tpu.vector_load %arg5[%get3A_67, %get3A_68] {strides = array<i32>} : memref<80x128xi32, #tpu.memory_space<vmem>>, vector<1x16xi32>,
      %get3A_70 = vector.shape_cast %get3A_69 : vector<1x16xi32> to vector<16xi32>
      %and3A = arith.andi %get3A_70, %broadcast_in_dim3A_3 : vector<16xi32>
      %mul3A_71 = arith.constant 16 : i32
      %mul3A_72 = arith.muli %add3A_64, %mul3A_71 : i32
      %swap3A = arith.constant 1 : i32
      %swap3A_73 = arith.index_cast %swap3A : i32 to index
      %swap3A_74 = arith.index_cast %mul3A_72 : i32 to index
      %swap3A_75 = tpu.vector_load %arg6[%swap3A_73, %swap3A_74] {strides = array<i32>} : memref<2x128xi32, #tpu.memory_space<vmem>>, vector<1x16xi32>,
      %swap3A_76 = vector.shape_cast %swap3A_75 : vector<1x16xi32> to vector<16xi32>
      %swap3A_77 = vector.shape_cast %and3A : vector<16xi32> to vector<1x16xi32>
      tpu.vector_store %arg6[%swap3A_73, %swap3A_74], %swap3A_77 {strides = array<i32>} : memref<2x128xi32, #tpu.memory_space<vmem>>, vector<1x16xi32>,
      %shift_right_logical3A = arith.constant 16 : i32
      %shift_right_logical3A_78 = vector.broadcast %shift_right_logical3A : i32 to vector<16xi32>
      %shift_right_logical3A_79 = arith.shrui %get3A_70, %shift_right_logical3A_78 : vector<16xi32>
      %mul3A_80 = arith.constant 16 : i32
      %mul3A_81 = arith.muli %add3A_64, %mul3A_80 : i32
      %swap3A_82 = arith.constant 1 : i32
      %swap3A_83 = arith.index_cast %swap3A_82 : i32 to index
      %swap3A_84 = arith.index_cast %mul3A_81 : i32 to index
      %swap3A_85 = tpu.vector_load %arg7[%swap3A_83, %swap3A_84] {strides = array<i32>} : memref<2x128xi32, #tpu.memory_space<vmem>>, vector<1x16xi32>,
      %swap3A_86 = vector.shape_cast %swap3A_85 : vector<1x16xi32> to vector<16xi32>
      %swap3A_87 = vector.shape_cast %shift_right_logical3A_79 : vector<16xi32> to vector<1x16xi32>
      tpu.vector_store %arg7[%swap3A_83, %swap3A_84], %swap3A_87 {strides = array<i32>} : memref<2x128xi32, #tpu.memory_space<vmem>>, vector<1x16xi32>,
    }
    %scan3A_22 = arith.constant 8 : i32
    %dma_start3A = arith.constant 0 : i32
    %dma_start3A_23 = arith.constant 0 : i32
    %dma_start3A_24 = tpu.memref_slice %arg6[%dma_start3A, %dma_start3A_23] : memref<2x128xi32, #tpu.memory_space<vmem>> -> memref<1x128xi32, #tpu.memory_space<vmem>>
    %dma_start3A_25 = tpu.memref_squeeze %dma_start3A_24 : memref<1x128xi32, #tpu.memory_space<vmem>> -> memref<128xi32, #tpu.memory_space<vmem>>
    %dma_start3A_26 = arith.constant 0 : i32
    %dma_start3A_27 = arith.constant 0 : i32
    %dma_start3A_28 = tpu.memref_slice %arg3[%dma_start3A_26, %dma_start3A_27] : memref<10240x128xf32, #tpu.memory_space<hbm>> -> memref<10240x128xf32, #tpu.memory_space<hbm>>
    tpu.enqueue_indirect_dma source(%dma_start3A_28 : memref<10240x128xf32, #tpu.memory_space<hbm>>) target(%arg8 : memref<128x128xf32, #tpu.memory_space<vmem>>) offsets(%dma_start3A_25 : memref<128xi32, #tpu.memory_space<vmem>>) semaphore(%arg11 : memref<!tpu.dma_semaphore, #tpu.memory_space<semaphore_mem>>)
    %dma_start3A_29 = arith.constant 1 : i32
    %dma_start3A_30 = arith.constant 0 : i32
    %dma_start3A_31 = tpu.memref_slice %arg6[%dma_start3A_29, %dma_start3A_30] : memref<2x128xi32, #tpu.memory_space<vmem>> -> memref<1x128xi32, #tpu.memory_space<vmem>>
    %dma_start3A_32 = tpu.memref_squeeze %dma_start3A_31 : memref<1x128xi32, #tpu.memory_space<vmem>> -> memref<128xi32, #tpu.memory_space<vmem>>
    %dma_start3A_33 = arith.constant 0 : i32
    %dma_start3A_34 = arith.constant 0 : i32
    %dma_start3A_35 = tpu.memref_slice %arg3[%dma_start3A_33, %dma_start3A_34] : memref<10240x128xf32, #tpu.memory_space<hbm>> -> memref<10240x128xf32, #tpu.memory_space<hbm>>
    tpu.enqueue_indirect_dma source(%dma_start3A_35 : memref<10240x128xf32, #tpu.memory_space<hbm>>) target(%arg9 : memref<128x128xf32, #tpu.memory_space<vmem>>) offsets(%dma_start3A_32 : memref<128xi32, #tpu.memory_space<vmem>>) semaphore(%arg12 : memref<!tpu.dma_semaphore, #tpu.memory_space<semaphore_mem>>)
    %scan3A_36 = arith.constant 0 : i32
    %scan3A_37 = arith.constant 40 : i32
    %scan3A_38 = arith.addi %scan3A_36, %scan3A_37 : i32
    %scan3A_39 = arith.constant 1 : i32
    scf.for %scan3A_60 = %scan3A_36 to %scan3A_38 step %scan3A_39  : i32 {
      %mul3A_61 = arith.constant 1 : i32
      %mul3A_62 = arith.muli %scan3A_60, %mul3A_61 : i32
      %add3A_63 = arith.constant 0 : i32
      %add3A_64 = arith.addi %add3A_63, %mul3A_62 : i32
      %mul3A_65 = arith.constant 2 : i32
      %mul3A_66 = arith.muli %mul3A_65, %add3A_64 : i32
      %dma_wait3A_67 = arith.constant 0 : i32
      %dma_wait3A_68 = arith.constant 0 : i32
      %dma_wait3A_69 = tpu.memref_slice %arg6[%dma_wait3A_67, %dma_wait3A_68] : memref<2x128xi32, #tpu.memory_space<vmem>> -> memref<1x128xi32, #tpu.memory_space<vmem>>
      %dma_wait3A_70 = tpu.memref_squeeze %dma_wait3A_69 : memref<1x128xi32, #tpu.memory_space<vmem>> -> memref<128xi32, #tpu.memory_space<vmem>>
      %dma_wait3A_71 = arith.constant 0 : i32
      %dma_wait3A_72 = arith.constant 0 : i32
      %dma_wait3A_73 = tpu.memref_slice %arg3[%dma_wait3A_71, %dma_wait3A_72] : memref<10240x128xf32, #tpu.memory_space<hbm>> -> memref<10240x128xf32, #tpu.memory_space<hbm>>
      tpu.wait_indirect_dma semaphore(%arg11 : memref<!tpu.dma_semaphore, #tpu.memory_space<semaphore_mem>>) src(%dma_wait3A_73 : memref<10240x128xf32, #tpu.memory_space<hbm>>) dst(%arg8 : memref<128x128xf32, #tpu.memory_space<vmem>>)
      %run_scoped3A = arith.constant 0 : i32
      "tpu.region"() ({
        %run_scoped3A_113 = tpu.sem_alloc : memref<!tpu.dma_semaphore, #tpu.memory_space<semaphore_mem>>
        %dma_start3A_114 = arith.constant 0 : i32
        %dma_start3A_115 = tpu.memref_slice %arg7[%run_scoped3A, %dma_start3A_114] : memref<2x128xi32, #tpu.memory_space<vmem>> -> memref<1x128xi32, #tpu.memory_space<vmem>>
        %dma_start3A_116 = tpu.memref_squeeze %dma_start3A_115 : memref<1x128xi32, #tpu.memory_space<vmem>> -> memref<128xi32, #tpu.memory_space<vmem>>
        %dma_start3A_117 = arith.constant 0 : i32
        %dma_start3A_118 = arith.constant 0 : i32
        %dma_start3A_119 = tpu.memref_slice %arg10[%dma_start3A_117, %dma_start3A_118] : memref<10240x128xf32, #tpu.memory_space<vmem_shared>> -> memref<10240x128xf32, #tpu.memory_space<vmem_shared>>
        tpu.enqueue_indirect_dma source(%arg8 : memref<128x128xf32, #tpu.memory_space<vmem>>) target(%dma_start3A_119 : memref<10240x128xf32, #tpu.memory_space<vmem_shared>>) offsets(%dma_start3A_116 : memref<128xi32, #tpu.memory_space<vmem>>) semaphore(%run_scoped3A_113 : memref<!tpu.dma_semaphore, #tpu.memory_space<semaphore_mem>>) {add = true}
        %dma_wait3A_120 = arith.constant 0 : i32
        %dma_wait3A_121 = tpu.memref_slice %arg7[%run_scoped3A, %dma_wait3A_120] : memref<2x128xi32, #tpu.memory_space<vmem>> -> memref<1x128xi32, #tpu.memory_space<vmem>>
        %dma_wait3A_122 = tpu.memref_squeeze %dma_wait3A_121 : memref<1x128xi32, #tpu.memory_space<vmem>> -> memref<128xi32, #tpu.memory_space<vmem>>
        %dma_wait3A_123 = arith.constant 0 : i32
        %dma_wait3A_124 = arith.constant 0 : i32
        %dma_wait3A_125 = tpu.memref_slice %arg10[%dma_wait3A_123, %dma_wait3A_124] : memref<10240x128xf32, #tpu.memory_space<vmem_shared>> -> memref<10240x128xf32, #tpu.memory_space<vmem_shared>>
        tpu.wait_indirect_dma semaphore(%run_scoped3A_113 : memref<!tpu.dma_semaphore, #tpu.memory_space<semaphore_mem>>) src(%arg8 : memref<128x128xf32, #tpu.memory_space<vmem>>) dst(%dma_wait3A_125 : memref<10240x128xf32, #tpu.memory_space<vmem_shared>>)
        tpu.yield
      }) : () -> ()
      %add3A_74 = arith.constant 2 : i32
      %add3A_75 = arith.addi %mul3A_66, %add3A_74 : i32
      %min3A = arith.constant 78 : i32
      %min3A_76 = arith.minsi %add3A_75, %min3A : i32
      %scan3A_77 = arith.constant 0 : i32
      %scan3A_78 = arith.constant 8 : i32
      %scan3A_79 = arith.addi %scan3A_77, %scan3A_78 : i32
      %scan3A_80 = arith.constant 1 : i32
      scf.for %scan3A_113 = %scan3A_77 to %scan3A_79 step %scan3A_80  : i32 {
        %mul3A_114 = arith.constant 1 : i32
        %mul3A_115 = arith.muli %scan3A_113, %mul3A_114 : i32
        %add3A_116 = arith.constant 0 : i32
        %add3A_117 = arith.addi %add3A_116, %mul3A_115 : i32
        %mul3A_118 = arith.constant 16 : i32
        %mul3A_119 = arith.muli %add3A_117, %mul3A_118 : i32
        %get3A = arith.index_cast %min3A_76 : i32 to index
        %get3A_120 = arith.index_cast %mul3A_119 : i32 to index
        %get3A_121 = tpu.vector_load %arg5[%get3A, %get3A_120] {strides = array<i32>} : memref<80x128xi32, #tpu.memory_space<vmem>>, vector<1x16xi32>,
        %get3A_122 = vector.shape_cast %get3A_121 : vector<1x16xi32> to vector<16xi32>
        %and3A = arith.andi %get3A_122, %broadcast_in_dim3A_3 : vector<16xi32>
        %mul3A_123 = arith.constant 16 : i32
        %mul3A_124 = arith.muli %add3A_117, %mul3A_123 : i32
        %swap3A = arith.constant 0 : i32
        %swap3A_125 = arith.index_cast %swap3A : i32 to index
        %swap3A_126 = arith.index_cast %mul3A_124 : i32 to index
        %swap3A_127 = tpu.vector_load %arg6[%swap3A_125, %swap3A_126] {strides = array<i32>} : memref<2x128xi32, #tpu.memory_space<vmem>>, vector<1x16xi32>,
        %swap3A_128 = vector.shape_cast %swap3A_127 : vector<1x16xi32> to vector<16xi32>
        %swap3A_129 = vector.shape_cast %and3A : vector<16xi32> to vector<1x16xi32>
        tpu.vector_store %arg6[%swap3A_125, %swap3A_126], %swap3A_129 {strides = array<i32>} : memref<2x128xi32, #tpu.memory_space<vmem>>, vector<1x16xi32>,
        %shift_right_logical3A = arith.constant 16 : i32
        %shift_right_logical3A_130 = vector.broadcast %shift_right_logical3A : i32 to vector<16xi32>
        %shift_right_logical3A_131 = arith.shrui %get3A_122, %shift_right_logical3A_130 : vector<16xi32>
        %mul3A_132 = arith.constant 16 : i32
        %mul3A_133 = arith.muli %add3A_117, %mul3A_132 : i32
        %swap3A_134 = arith.constant 0 : i32
        %swap3A_135 = arith.index_cast %swap3A_134 : i32 to index
        %swap3A_136 = arith.index_cast %mul3A_133 : i32 to index
        %swap3A_137 = tpu.vector_load %arg7[%swap3A_135, %swap3A_136] {strides = array<i32>} : memref<2x128xi32, #tpu.memory_space<vmem>>, vector<1x16xi32>,
        %swap3A_138 = vector.shape_cast %swap3A_137 : vector<1x16xi32> to vector<16xi32>
        %swap3A_139 = vector.shape_cast %shift_right_logical3A_131 : vector<16xi32> to vector<1x16xi32>
        tpu.vector_store %arg7[%swap3A_135, %swap3A_136], %swap3A_139 {strides = array<i32>} : memref<2x128xi32, #tpu.memory_space<vmem>>, vector<1x16xi32>,
      }
      %scan3A_81 = arith.constant 8 : i32
      %dma_start3A_82 = arith.constant 0 : i32
      %dma_start3A_83 = arith.constant 0 : i32
      %dma_start3A_84 = tpu.memref_slice %arg6[%dma_start3A_82, %dma_start3A_83] : memref<2x128xi32, #tpu.memory_space<vmem>> -> memref<1x128xi32, #tpu.memory_space<vmem>>
      %dma_start3A_85 = tpu.memref_squeeze %dma_start3A_84 : memref<1x128xi32, #tpu.memory_space<vmem>> -> memref<128xi32, #tpu.memory_space<vmem>>
      %dma_start3A_86 = arith.constant 0 : i32
      %dma_start3A_87 = arith.constant 0 : i32
      %dma_start3A_88 = tpu.memref_slice %arg3[%dma_start3A_86, %dma_start3A_87] : memref<10240x128xf32, #tpu.memory_space<hbm>> -> memref<10240x128xf32, #tpu.memory_space<hbm>>
      tpu.enqueue_indirect_dma source(%dma_start3A_88 : memref<10240x128xf32, #tpu.memory_space<hbm>>) target(%arg8 : memref<128x128xf32, #tpu.memory_space<vmem>>) offsets(%dma_start3A_85 : memref<128xi32, #tpu.memory_space<vmem>>) semaphore(%arg11 : memref<!tpu.dma_semaphore, #tpu.memory_space<semaphore_mem>>)
      %dma_wait3A_89 = arith.constant 1 : i32
      %dma_wait3A_90 = arith.constant 0 : i32
      %dma_wait3A_91 = tpu.memref_slice %arg6[%dma_wait3A_89, %dma_wait3A_90] : memref<2x128xi32, #tpu.memory_space<vmem>> -> memref<1x128xi32, #tpu.memory_space<vmem>>
      %dma_wait3A_92 = tpu.memref_squeeze %dma_wait3A_91 : memref<1x128xi32, #tpu.memory_space<vmem>> -> memref<128xi32, #tpu.memory_space<vmem>>
      %dma_wait3A_93 = arith.constant 0 : i32
      %dma_wait3A_94 = arith.constant 0 : i32
      %dma_wait3A_95 = tpu.memref_slice %arg3[%dma_wait3A_93, %dma_wait3A_94] : memref<10240x128xf32, #tpu.memory_space<hbm>> -> memref<10240x128xf32, #tpu.memory_space<hbm>>
      tpu.wait_indirect_dma semaphore(%arg12 : memref<!tpu.dma_semaphore, #tpu.memory_space<semaphore_mem>>) src(%dma_wait3A_95 : memref<10240x128xf32, #tpu.memory_space<hbm>>) dst(%arg9 : memref<128x128xf32, #tpu.memory_space<vmem>>)
      %run_scoped3A_96 = arith.constant 1 : i32
      "tpu.region"() ({
        %run_scoped3A_113 = tpu.sem_alloc : memref<!tpu.dma_semaphore, #tpu.memory_space<semaphore_mem>>
        %dma_start3A_114 = arith.constant 0 : i32
        %dma_start3A_115 = tpu.memref_slice %arg7[%run_scoped3A_96, %dma_start3A_114] : memref<2x128xi32, #tpu.memory_space<vmem>> -> memref<1x128xi32, #tpu.memory_space<vmem>>
        %dma_start3A_116 = tpu.memref_squeeze %dma_start3A_115 : memref<1x128xi32, #tpu.memory_space<vmem>> -> memref<128xi32, #tpu.memory_space<vmem>>
        %dma_start3A_117 = arith.constant 0 : i32
        %dma_start3A_118 = arith.constant 0 : i32
        %dma_start3A_119 = tpu.memref_slice %arg10[%dma_start3A_117, %dma_start3A_118] : memref<10240x128xf32, #tpu.memory_space<vmem_shared>> -> memref<10240x128xf32, #tpu.memory_space<vmem_shared>>
        tpu.enqueue_indirect_dma source(%arg9 : memref<128x128xf32, #tpu.memory_space<vmem>>) target(%dma_start3A_119 : memref<10240x128xf32, #tpu.memory_space<vmem_shared>>) offsets(%dma_start3A_116 : memref<128xi32, #tpu.memory_space<vmem>>) semaphore(%run_scoped3A_113 : memref<!tpu.dma_semaphore, #tpu.memory_space<semaphore_mem>>) {add = true}
        %dma_wait3A_120 = arith.constant 0 : i32
        %dma_wait3A_121 = tpu.memref_slice %arg7[%run_scoped3A_96, %dma_wait3A_120] : memref<2x128xi32, #tpu.memory_space<vmem>> -> memref<1x128xi32, #tpu.memory_space<vmem>>
        %dma_wait3A_122 = tpu.memref_squeeze %dma_wait3A_121 : memref<1x128xi32, #tpu.memory_space<vmem>> -> memref<128xi32, #tpu.memory_space<vmem>>
        %dma_wait3A_123 = arith.constant 0 : i32
        %dma_wait3A_124 = arith.constant 0 : i32
        %dma_wait3A_125 = tpu.memref_slice %arg10[%dma_wait3A_123, %dma_wait3A_124] : memref<10240x128xf32, #tpu.memory_space<vmem_shared>> -> memref<10240x128xf32, #tpu.memory_space<vmem_shared>>
        tpu.wait_indirect_dma semaphore(%run_scoped3A_113 : memref<!tpu.dma_semaphore, #tpu.memory_space<semaphore_mem>>) src(%arg9 : memref<128x128xf32, #tpu.memory_space<vmem>>) dst(%dma_wait3A_125 : memref<10240x128xf32, #tpu.memory_space<vmem_shared>>)
        tpu.yield
      }) : () -> ()
      %add3A_97 = arith.constant 3 : i32
      %add3A_98 = arith.addi %mul3A_66, %add3A_97 : i32
      %min3A_99 = arith.constant 79 : i32
      %min3A_100 = arith.minsi %add3A_98, %min3A_99 : i32
      %scan3A_101 = arith.constant 0 : i32
      %scan3A_102 = arith.constant 8 : i32
      %scan3A_103 = arith.addi %scan3A_101, %scan3A_102 : i32
      %scan3A_104 = arith.constant 1 : i32
      scf.for %scan3A_113 = %scan3A_101 to %scan3A_103 step %scan3A_104  : i32 {
        %mul3A_114 = arith.constant 1 : i32
        %mul3A_115 = arith.muli %scan3A_113, %mul3A_114 : i32
        %add3A_116 = arith.constant 0 : i32
        %add3A_117 = arith.addi %add3A_116, %mul3A_115 : i32
        %mul3A_118 = arith.constant 16 : i32
        %mul3A_119 = arith.muli %add3A_117, %mul3A_118 : i32
        %get3A = arith.index_cast %min3A_100 : i32 to index
        %get3A_120 = arith.index_cast %mul3A_119 : i32 to index
        %get3A_121 = tpu.vector_load %arg5[%get3A, %get3A_120] {strides = array<i32>} : memref<80x128xi32, #tpu.memory_space<vmem>>, vector<1x16xi32>,
        %get3A_122 = vector.shape_cast %get3A_121 : vector<1x16xi32> to vector<16xi32>
        %and3A = arith.andi %get3A_122, %broadcast_in_dim3A_3 : vector<16xi32>
        %mul3A_123 = arith.constant 16 : i32
        %mul3A_124 = arith.muli %add3A_117, %mul3A_123 : i32
        %swap3A = arith.constant 1 : i32
        %swap3A_125 = arith.index_cast %swap3A : i32 to index
        %swap3A_126 = arith.index_cast %mul3A_124 : i32 to index
        %swap3A_127 = tpu.vector_load %arg6[%swap3A_125, %swap3A_126] {strides = array<i32>} : memref<2x128xi32, #tpu.memory_space<vmem>>, vector<1x16xi32>,
        %swap3A_128 = vector.shape_cast %swap3A_127 : vector<1x16xi32> to vector<16xi32>
        %swap3A_129 = vector.shape_cast %and3A : vector<16xi32> to vector<1x16xi32>
        tpu.vector_store %arg6[%swap3A_125, %swap3A_126], %swap3A_129 {strides = array<i32>} : memref<2x128xi32, #tpu.memory_space<vmem>>, vector<1x16xi32>,
        %shift_right_logical3A = arith.constant 16 : i32
        %shift_right_logical3A_130 = vector.broadcast %shift_right_logical3A : i32 to vector<16xi32>
        %shift_right_logical3A_131 = arith.shrui %get3A_122, %shift_right_logical3A_130 : vector<16xi32>
        %mul3A_132 = arith.constant 16 : i32
        %mul3A_133 = arith.muli %add3A_117, %mul3A_132 : i32
        %swap3A_134 = arith.constant 1 : i32
        %swap3A_135 = arith.index_cast %swap3A_134 : i32 to index
        %swap3A_136 = arith.index_cast %mul3A_133 : i32 to index
        %swap3A_137 = tpu.vector_load %arg7[%swap3A_135, %swap3A_136] {strides = array<i32>} : memref<2x128xi32, #tpu.memory_space<vmem>>, vector<1x16xi32>,
        %swap3A_138 = vector.shape_cast %swap3A_137 : vector<1x16xi32> to vector<16xi32>
        %swap3A_139 = vector.shape_cast %shift_right_logical3A_131 : vector<16xi32> to vector<1x16xi32>
        tpu.vector_store %arg7[%swap3A_135, %swap3A_136], %swap3A_139 {strides = array<i32>} : memref<2x128xi32, #tpu.memory_space<vmem>>, vector<1x16xi32>,
      }
      %scan3A_105 = arith.constant 8 : i32
      %dma_start3A_106 = arith.constant 1 : i32
      %dma_start3A_107 = arith.constant 0 : i32
      %dma_start3A_108 = tpu.memref_slice %arg6[%dma_start3A_106, %dma_start3A_107] : memref<2x128xi32, #tpu.memory_space<vmem>> -> memref<1x128xi32, #tpu.memory_space<vmem>>
      %dma_start3A_109 = tpu.memref_squeeze %dma_start3A_108 : memref<1x128xi32, #tpu.memory_space<vmem>> -> memref<128xi32, #tpu.memory_space<vmem>>
      %dma_start3A_110 = arith.constant 0 : i32
      %dma_start3A_111 = arith.constant 0 : i32
      %dma_start3A_112 = tpu.memref_slice %arg3[%dma_start3A_110, %dma_start3A_111] : memref<10240x128xf32, #tpu.memory_space<hbm>> -> memref<10240x128xf32, #tpu.memory_space<hbm>>
      tpu.enqueue_indirect_dma source(%dma_start3A_112 : memref<10240x128xf32, #tpu.memory_space<hbm>>) target(%arg9 : memref<128x128xf32, #tpu.memory_space<vmem>>) offsets(%dma_start3A_109 : memref<128xi32, #tpu.memory_space<vmem>>) semaphore(%arg12 : memref<!tpu.dma_semaphore, #tpu.memory_space<semaphore_mem>>)
    }
    %scan3A_40 = arith.constant 40 : i32
    %dma_wait3A = arith.constant 0 : i32
    %dma_wait3A_41 = arith.constant 0 : i32
    %dma_wait3A_42 = tpu.memref_slice %arg6[%dma_wait3A, %dma_wait3A_41] : memref<2x128xi32, #tpu.memory_space<vmem>> -> memref<1x128xi32, #tpu.memory_space<vmem>>
    %dma_wait3A_43 = tpu.memref_squeeze %dma_wait3A_42 : memref<1x128xi32, #tpu.memory_space<vmem>> -> memref<128xi32, #tpu.memory_space<vmem>>
    %dma_wait3A_44 = arith.constant 0 : i32
    %dma_wait3A_45 = arith.constant 0 : i32
    %dma_wait3A_46 = tpu.memref_slice %arg3[%dma_wait3A_44, %dma_wait3A_45] : memref<10240x128xf32, #tpu.memory_space<hbm>> -> memref<10240x128xf32, #tpu.memory_space<hbm>>
    tpu.wait_indirect_dma semaphore(%arg11 : memref<!tpu.dma_semaphore, #tpu.memory_space<semaphore_mem>>) src(%dma_wait3A_46 : memref<10240x128xf32, #tpu.memory_space<hbm>>) dst(%arg8 : memref<128x128xf32, #tpu.memory_space<vmem>>)
    %dma_wait3A_47 = arith.constant 1 : i32
    %dma_wait3A_48 = arith.constant 0 : i32
    %dma_wait3A_49 = tpu.memref_slice %arg6[%dma_wait3A_47, %dma_wait3A_48] : memref<2x128xi32, #tpu.memory_space<vmem>> -> memref<1x128xi32, #tpu.memory_space<vmem>>
    %dma_wait3A_50 = tpu.memref_squeeze %dma_wait3A_49 : memref<1x128xi32, #tpu.memory_space<vmem>> -> memref<128xi32, #tpu.memory_space<vmem>>
    %dma_wait3A_51 = arith.constant 0 : i32
    %dma_wait3A_52 = arith.constant 0 : i32
    %dma_wait3A_53 = tpu.memref_slice %arg3[%dma_wait3A_51, %dma_wait3A_52] : memref<10240x128xf32, #tpu.memory_space<hbm>> -> memref<10240x128xf32, #tpu.memory_space<hbm>>
    tpu.wait_indirect_dma semaphore(%arg12 : memref<!tpu.dma_semaphore, #tpu.memory_space<semaphore_mem>>) src(%dma_wait3A_53 : memref<10240x128xf32, #tpu.memory_space<hbm>>) dst(%arg9 : memref<128x128xf32, #tpu.memory_space<vmem>>)
    %barrier3A_54 = arith.constant 0 : index
    tpu.barrier barrier_id(%barrier3A_54)
    %scan3A_55 = arith.constant 0 : i32
    %scan3A_56 = arith.constant 5 : i32
    %scan3A_57 = arith.addi %scan3A_55, %scan3A_56 : i32
    %scan3A_58 = arith.constant 1 : i32
    scf.for %scan3A_60 = %scan3A_55 to %scan3A_57 step %scan3A_58  : i32 {
      %mul3A_61 = arith.constant 1 : i32
      %mul3A_62 = arith.muli %scan3A_60, %mul3A_61 : i32
      %add3A_63 = arith.constant 0 : i32
      %add3A_64 = arith.addi %add3A_63, %mul3A_62 : i32
      %mul3A_65 = arith.constant 640 : i32
      %mul3A_66 = arith.muli %arg1, %mul3A_65 : i32
      %mul3A_67 = arith.constant 128 : i32
      %mul3A_68 = arith.muli %add3A_64, %mul3A_67 : i32
      %add3A_69 = arith.addi %mul3A_66, %mul3A_68 : i32
      "tpu.region"() ({
        %run_scoped3A = tpu.sem_alloc : memref<!tpu.dma_semaphore, #tpu.memory_space<semaphore_mem>>
        %dma_start3A_70 = arith.constant 0 : i32
        %dma_start3A_71 = arith.constant 0 : i32
        %dma_start3A_72 = tpu.memref_slice %arg4[%arg0, %dma_start3A_70, %dma_start3A_71] : memref<2x10240x128xf32, #tpu.memory_space<hbm>> -> memref<1x10240x128xf32, #tpu.memory_space<hbm>>
        %dma_start3A_73 = tpu.memref_squeeze %dma_start3A_72 : memref<1x10240x128xf32, #tpu.memory_space<hbm>> -> memref<10240x128xf32, #tpu.memory_space<hbm>>
        %dma_start3A_74 = arith.constant 0 : i32
        %dma_start3A_75 = tpu.memref_slice %dma_start3A_73[%add3A_69, %dma_start3A_74] : memref<10240x128xf32, #tpu.memory_space<hbm>> -> memref<128x128xf32, #tpu.memory_space<hbm>>
        %dma_start3A_76 = arith.constant 0 : i32
        %dma_start3A_77 = tpu.memref_slice %arg10[%add3A_69, %dma_start3A_76] : memref<10240x128xf32, #tpu.memory_space<vmem_shared>> -> memref<128x128xf32, #tpu.memory_space<vmem_shared>>
        tpu.enqueue_dma source(%dma_start3A_77 : memref<128x128xf32, #tpu.memory_space<vmem_shared>>) target(%dma_start3A_75 : memref<128x128xf32, #tpu.memory_space<hbm>>) target_semaphore(%run_scoped3A : memref<!tpu.dma_semaphore, #tpu.memory_space<semaphore_mem>>)
        %dma_wait3A_78 = arith.constant 0 : i32
        %dma_wait3A_79 = arith.constant 0 : i32
        %dma_wait3A_80 = tpu.memref_slice %arg4[%arg0, %dma_wait3A_78, %dma_wait3A_79] : memref<2x10240x128xf32, #tpu.memory_space<hbm>> -> memref<1x10240x128xf32, #tpu.memory_space<hbm>>
        %dma_wait3A_81 = tpu.memref_squeeze %dma_wait3A_80 : memref<1x10240x128xf32, #tpu.memory_space<hbm>> -> memref<10240x128xf32, #tpu.memory_space<hbm>>
        %dma_wait3A_82 = arith.constant 0 : i32
        %dma_wait3A_83 = tpu.memref_slice %dma_wait3A_81[%add3A_69, %dma_wait3A_82] : memref<10240x128xf32, #tpu.memory_space<hbm>> -> memref<128x128xf32, #tpu.memory_space<hbm>>
        %dma_wait3A_84 = arith.constant 0 : i32
        %dma_wait3A_85 = tpu.memref_slice %arg10[%add3A_69, %dma_wait3A_84] : memref<10240x128xf32, #tpu.memory_space<vmem_shared>> -> memref<128x128xf32, #tpu.memory_space<vmem_shared>>
        tpu.wait_dma2 semaphore(%run_scoped3A : memref<!tpu.dma_semaphore, #tpu.memory_space<semaphore_mem>>) src(%dma_wait3A_85 : memref<128x128xf32, #tpu.memory_space<vmem_shared>>) dst(%dma_wait3A_83 : memref<128x128xf32, #tpu.memory_space<hbm>>)
        tpu.yield
      }) : () -> ()
    }
    %scan3A_59 = arith.constant 5 : i32
    return
  }
}

#map = affine_map<(d0, d1) -> (0, 0, 0)>
#map1 = affine_map<(d0, d1) -> (0, 0)>
module attributes {stable_mosaic.version = 14 : i64} {
  func.func @body(%arg0: i32, %arg1: i32, %arg2: memref<32x80x128xi32, #tpu.memory_space<hbm>>, %arg3: memref<10000x128xf32, #tpu.memory_space<hbm>>, %arg4: memref<2x10240x128xf32, #tpu.memory_space<hbm>>, %arg5: memref<80x128xi32, #tpu.memory_space<vmem>>, %arg6: memref<2x128xi32, #tpu.memory_space<vmem>>, %arg7: memref<2x128xi32, #tpu.memory_space<vmem>>, %arg8: memref<128x128xf32, #tpu.memory_space<vmem>>, %arg9: memref<128x128xf32, #tpu.memory_space<vmem>>, %arg10: memref<10240x128xf32, #tpu.memory_space<vmem_shared>>, %arg11: memref<!tpu.dma_semaphore, #tpu.memory_space<semaphore_mem>>, %arg12: memref<!tpu.dma_semaphore, #tpu.memory_space<semaphore_mem>>) attributes {dimension_semantics = [#tpu.dimension_semantics<core_parallel>, #tpu.dimension_semantics<subcore_parallel>], iteration_bounds = array<i64: 2, 16>, scalar_prefetch = 0 : i64, scratch_operands = 8 : i64, tpu.core_type = #tpu.core_type<sc_vector_subcore>, window_params = [{transform_indices = #map}, {transform_indices = #map1}, {transform_indices = #map}]} {
    %mul3A = arith.constant 16 : i32
    %mul3A_0 = arith.muli %arg0, %mul3A : i32
    %add3A = arith.addi %mul3A_0, %arg1 : i32
    %broadcast_in_dim3A = arith.constant 0.000000e+00 : f32
    %broadcast_in_dim3A_1 = vector.broadcast %broadcast_in_dim3A : f32 to vector<16xf32>
    %broadcast_in_dim3A_2 = arith.constant 65535 : i32
    %broadcast_in_dim3A_3 = vector.broadcast %broadcast_in_dim3A_2 : i32 to vector<16xi32>
    %scan3A = arith.constant 0 : i32
    %scan3A_4 = arith.constant 128 : i32
    %scan3A_5 = arith.addi %scan3A, %scan3A_4 : i32
    %scan3A_6 = arith.constant 1 : i32
    scf.for %scan3A_60 = %scan3A to %scan3A_5 step %scan3A_6  : i32 {
      %mul3A_61 = arith.constant 1 : i32
      %mul3A_62 = arith.muli %scan3A_60, %mul3A_61 : i32
      %add3A_63 = arith.constant 0 : i32
      %add3A_64 = arith.addi %add3A_63, %mul3A_62 : i32
      %scan3A_65 = arith.constant 0 : i32
      %scan3A_66 = arith.constant 8 : i32
      %scan3A_67 = arith.addi %scan3A_65, %scan3A_66 : i32
      %scan3A_68 = arith.constant 1 : i32
      scf.for %scan3A_70 = %scan3A_65 to %scan3A_67 step %scan3A_68  : i32 {
        %mul3A_71 = arith.constant 1 : i32
        %mul3A_72 = arith.muli %scan3A_70, %mul3A_71 : i32
        %add3A_73 = arith.constant 0 : i32
        %add3A_74 = arith.addi %add3A_73, %mul3A_72 : i32
        %mul3A_75 = arith.constant 16 : i32
        %mul3A_76 = arith.muli %add3A_74, %mul3A_75 : i32
        %swap3A = arith.index_cast %add3A_64 : i32 to index
        %swap3A_77 = arith.index_cast %mul3A_76 : i32 to index
        %swap3A_78 = tpu.vector_load %arg8[%swap3A, %swap3A_77] {strides = array<i32>} : memref<128x128xf32, #tpu.memory_space<vmem>>, vector<1x16xf32>,
        %swap3A_79 = vector.shape_cast %swap3A_78 : vector<1x16xf32> to vector<16xf32>
        %swap3A_80 = vector.shape_cast %broadcast_in_dim3A_1 : vector<16xf32> to vector<1x16xf32>
        tpu.vector_store %arg8[%swap3A, %swap3A_77], %swap3A_80 {strides = array<i32>} : memref<128x128xf32, #tpu.memory_space<vmem>>, vector<1x16xf32>,
      }
      %scan3A_69 = arith.constant 8 : i32
    }
    %scan3A_7 = arith.constant 128 : i32
    %scan3A_8 = arith.constant 0 : i32
    %scan3A_9 = arith.constant 5 : i32
    %scan3A_10 = arith.addi %scan3A_8, %scan3A_9 : i32
    %scan3A_11 = arith.constant 1 : i32
    scf.for %scan3A_60 = %scan3A_8 to %scan3A_10 step %scan3A_11  : i32 {
      %mul3A_61 = arith.constant 1 : i32
      %mul3A_62 = arith.muli %scan3A_60, %mul3A_61 : i32
      %add3A_63 = arith.constant 0 : i32
      %add3A_64 = arith.addi %add3A_63, %mul3A_62 : i32
      %mul3A_65 = arith.constant 640 : i32
      %mul3A_66 = arith.muli %arg1, %mul3A_65 : i32
      %mul3A_67 = arith.constant 128 : i32
      %mul3A_68 = arith.muli %add3A_64, %mul3A_67 : i32
      %add3A_69 = arith.addi %mul3A_66, %mul3A_68 : i32
      "tpu.region"() ({
        %run_scoped3A = tpu.sem_alloc : memref<!tpu.dma_semaphore, #tpu.memory_space<semaphore_mem>>
        %dma_start3A_70 = arith.constant 0 : i32
        %dma_start3A_71 = tpu.memref_slice %arg10[%add3A_69, %dma_start3A_70] : memref<10240x128xf32, #tpu.memory_space<vmem_shared>> -> memref<128x128xf32, #tpu.memory_space<vmem_shared>>
        %dma_start3A_72 = arith.constant 0 : i32
        %dma_start3A_73 = tpu.memref_slice %arg10[%add3A_69, %dma_start3A_72] : memref<10240x128xf32, #tpu.memory_space<vmem_shared>> -> memref<128x128xf32, #tpu.memory_space<vmem_shared>>
        tpu.enqueue_dma source(%arg8 : memref<128x128xf32, #tpu.memory_space<vmem>>) target(%dma_start3A_73 : memref<128x128xf32, #tpu.memory_space<vmem_shared>>) target_semaphore(%run_scoped3A : memref<!tpu.dma_semaphore, #tpu.memory_space<semaphore_mem>>)
        %dma_wait3A_74 = arith.constant 0 : i32
        %dma_wait3A_75 = tpu.memref_slice %arg10[%add3A_69, %dma_wait3A_74] : memref<10240x128xf32, #tpu.memory_space<vmem_shared>> -> memref<128x128xf32, #tpu.memory_space<vmem_shared>>
        %dma_wait3A_76 = arith.constant 0 : i32
        %dma_wait3A_77 = tpu.memref_slice %arg10[%add3A_69, %dma_wait3A_76] : memref<10240x128xf32, #tpu.memory_space<vmem_shared>> -> memref<128x128xf32, #tpu.memory_space<vmem_shared>>
        tpu.wait_dma2 semaphore(%run_scoped3A : memref<!tpu.dma_semaphore, #tpu.memory_space<semaphore_mem>>) src(%arg8 : memref<128x128xf32, #tpu.memory_space<vmem>>) dst(%dma_wait3A_77 : memref<128x128xf32, #tpu.memory_space<vmem_shared>>)
        tpu.yield
      }) : () -> ()
    }
    %scan3A_12 = arith.constant 5 : i32
    %barrier3A = arith.constant 0 : index
    tpu.barrier barrier_id(%barrier3A)
    "tpu.region"() ({
      %run_scoped3A = tpu.sem_alloc : memref<!tpu.dma_semaphore, #tpu.memory_space<semaphore_mem>>
      %dma_start3A_60 = arith.constant 0 : i32
      %dma_start3A_61 = arith.constant 0 : i32
      %dma_start3A_62 = tpu.memref_slice %arg2[%add3A, %dma_start3A_60, %dma_start3A_61] : memref<32x80x128xi32, #tpu.memory_space<hbm>> -> memref<1x80x128xi32, #tpu.memory_space<hbm>>
      %dma_start3A_63 = tpu.memref_squeeze %dma_start3A_62 : memref<1x80x128xi32, #tpu.memory_space<hbm>> -> memref<80x128xi32, #tpu.memory_space<hbm>>
      %dma_start3A_64 = arith.constant 0 : i32
      %dma_start3A_65 = arith.constant 0 : i32
      %dma_start3A_66 = tpu.memref_slice %arg2[%add3A, %dma_start3A_64, %dma_start3A_65] : memref<32x80x128xi32, #tpu.memory_space<hbm>> -> memref<1x80x128xi32, #tpu.memory_space<hbm>>
      %dma_start3A_67 = tpu.memref_squeeze %dma_start3A_66 : memref<1x80x128xi32, #tpu.memory_space<hbm>> -> memref<80x128xi32, #tpu.memory_space<hbm>>
      tpu.enqueue_dma source(%dma_start3A_67 : memref<80x128xi32, #tpu.memory_space<hbm>>) target(%arg5 : memref<80x128xi32, #tpu.memory_space<vmem>>) target_semaphore(%run_scoped3A : memref<!tpu.dma_semaphore, #tpu.memory_space<semaphore_mem>>)
      %dma_wait3A_68 = arith.constant 0 : i32
      %dma_wait3A_69 = arith.constant 0 : i32
      %dma_wait3A_70 = tpu.memref_slice %arg2[%add3A, %dma_wait3A_68, %dma_wait3A_69] : memref<32x80x128xi32, #tpu.memory_space<hbm>> -> memref<1x80x128xi32, #tpu.memory_space<hbm>>
      %dma_wait3A_71 = tpu.memref_squeeze %dma_wait3A_70 : memref<1x80x128xi32, #tpu.memory_space<hbm>> -> memref<80x128xi32, #tpu.memory_space<hbm>>
      %dma_wait3A_72 = arith.constant 0 : i32
      %dma_wait3A_73 = arith.constant 0 : i32
      %dma_wait3A_74 = tpu.memref_slice %arg2[%add3A, %dma_wait3A_72, %dma_wait3A_73] : memref<32x80x128xi32, #tpu.memory_space<hbm>> -> memref<1x80x128xi32, #tpu.memory_space<hbm>>
      %dma_wait3A_75 = tpu.memref_squeeze %dma_wait3A_74 : memref<1x80x128xi32, #tpu.memory_space<hbm>> -> memref<80x128xi32, #tpu.memory_space<hbm>>
      tpu.wait_dma2 semaphore(%run_scoped3A : memref<!tpu.dma_semaphore, #tpu.memory_space<semaphore_mem>>) src(%dma_wait3A_75 : memref<80x128xi32, #tpu.memory_space<hbm>>) dst(%arg5 : memref<80x128xi32, #tpu.memory_space<vmem>>)
      tpu.yield
    }) : () -> ()
    %scan3A_13 = arith.constant 0 : i32
    %scan3A_14 = arith.constant 8 : i32
    %scan3A_15 = arith.addi %scan3A_13, %scan3A_14 : i32
    %scan3A_16 = arith.constant 1 : i32
    scf.for %scan3A_60 = %scan3A_13 to %scan3A_15 step %scan3A_16  : i32 {
      %mul3A_61 = arith.constant 1 : i32
      %mul3A_62 = arith.muli %scan3A_60, %mul3A_61 : i32
      %add3A_63 = arith.constant 0 : i32
      %add3A_64 = arith.addi %add3A_63, %mul3A_62 : i32
      %mul3A_65 = arith.constant 16 : i32
      %mul3A_66 = arith.muli %add3A_64, %mul3A_65 : i32
      %get3A = arith.constant 0 : i32
      %get3A_67 = arith.index_cast %get3A : i32 to index
      %get3A_68 = arith.index_cast %mul3A_66 : i32 to index
      %get3A_69 = tpu.vector_load %arg5[%get3A_67, %get3A_68] {strides = array<i32>} : memref<80x128xi32, #tpu.memory_space<vmem>>, vector<1x16xi32>,
      %get3A_70 = vector.shape_cast %get3A_69 : vector<1x16xi32> to vector<16xi32>
      %and3A = arith.andi %get3A_70, %broadcast_in_dim3A_3 : vector<16xi32>
      %mul3A_71 = arith.constant 16 : i32
      %mul3A_72 = arith.muli %add3A_64, %mul3A_71 : i32
      %swap3A = arith.constant 0 : i32
      %swap3A_73 = arith.index_cast %swap3A : i32 to index
      %swap3A_74 = arith.index_cast %mul3A_72 : i32 to index
      %swap3A_75 = tpu.vector_load %arg6[%swap3A_73, %swap3A_74] {strides = array<i32>} : memref<2x128xi32, #tpu.memory_space<vmem>>, vector<1x16xi32>,
      %swap3A_76 = vector.shape_cast %swap3A_75 : vector<1x16xi32> to vector<16xi32>
      %swap3A_77 = vector.shape_cast %and3A : vector<16xi32> to vector<1x16xi32>
      tpu.vector_store %arg6[%swap3A_73, %swap3A_74], %swap3A_77 {strides = array<i32>} : memref<2x128xi32, #tpu.memory_space<vmem>>, vector<1x16xi32>,
      %shift_right_logical3A = arith.constant 16 : i32
      %shift_right_logical3A_78 = vector.broadcast %shift_right_logical3A : i32 to vector<16xi32>
      %shift_right_logical3A_79 = arith.shrui %get3A_70, %shift_right_logical3A_78 : vector<16xi32>
      %mul3A_80 = arith.constant 16 : i32
      %mul3A_81 = arith.muli %add3A_64, %mul3A_80 : i32
      %swap3A_82 = arith.constant 0 : i32
      %swap3A_83 = arith.index_cast %swap3A_82 : i32 to index
      %swap3A_84 = arith.index_cast %mul3A_81 : i32 to index
      %swap3A_85 = tpu.vector_load %arg7[%swap3A_83, %swap3A_84] {strides = array<i32>} : memref<2x128xi32, #tpu.memory_space<vmem>>, vector<1x16xi32>,
      %swap3A_86 = vector.shape_cast %swap3A_85 : vector<1x16xi32> to vector<16xi32>
      %swap3A_87 = vector.shape_cast %shift_right_logical3A_79 : vector<16xi32> to vector<1x16xi32>
      tpu.vector_store %arg7[%swap3A_83, %swap3A_84], %swap3A_87 {strides = array<i32>} : memref<2x128xi32, #tpu.memory_space<vmem>>, vector<1x16xi32>,
    }
    %scan3A_17 = arith.constant 8 : i32
    %scan3A_18 = arith.constant 0 : i32
    %scan3A_19 = arith.constant 8 : i32
    %scan3A_20 = arith.addi %scan3A_18, %scan3A_19 : i32
    %scan3A_21 = arith.constant 1 : i32
    scf.for %scan3A_60 = %scan3A_18 to %scan3A_20 step %scan3A_21  : i32 {
      %mul3A_61 = arith.constant 1 : i32
      %mul3A_62 = arith.muli %scan3A_60, %mul3A_61 : i32
      %add3A_63 = arith.constant 0 : i32
      %add3A_64 = arith.addi %add3A_63, %mul3A_62 : i32
      %mul3A_65 = arith.constant 16 : i32
      %mul3A_66 = arith.muli %add3A_64, %mul3A_65 : i32
      %get3A = arith.constant 1 : i32
      %get3A_67 = arith.index_cast %get3A : i32 to index
      %get3A_68 = arith.index_cast %mul3A_66 : i32 to index
      %get3A_69 = tpu.vector_load %arg5[%get3A_67, %get3A_68] {strides = array<i32>} : memref<80x128xi32, #tpu.memory_space<vmem>>, vector<1x16xi32>,
      %get3A_70 = vector.shape_cast %get3A_69 : vector<1x16xi32> to vector<16xi32>
      %and3A = arith.andi %get3A_70, %broadcast_in_dim3A_3 : vector<16xi32>
      %mul3A_71 = arith.constant 16 : i32
      %mul3A_72 = arith.muli %add3A_64, %mul3A_71 : i32
      %swap3A = arith.constant 1 : i32
      %swap3A_73 = arith.index_cast %swap3A : i32 to index
      %swap3A_74 = arith.index_cast %mul3A_72 : i32 to index
      %swap3A_75 = tpu.vector_load %arg6[%swap3A_73, %swap3A_74] {strides = array<i32>} : memref<2x128xi32, #tpu.memory_space<vmem>>, vector<1x16xi32>,
      %swap3A_76 = vector.shape_cast %swap3A_75 : vector<1x16xi32> to vector<16xi32>
      %swap3A_77 = vector.shape_cast %and3A : vector<16xi32> to vector<1x16xi32>
      tpu.vector_store %arg6[%swap3A_73, %swap3A_74], %swap3A_77 {strides = array<i32>} : memref<2x128xi32, #tpu.memory_space<vmem>>, vector<1x16xi32>,
      %shift_right_logical3A = arith.constant 16 : i32
      %shift_right_logical3A_78 = vector.broadcast %shift_right_logical3A : i32 to vector<16xi32>
      %shift_right_logical3A_79 = arith.shrui %get3A_70, %shift_right_logical3A_78 : vector<16xi32>
      %mul3A_80 = arith.constant 16 : i32
      %mul3A_81 = arith.muli %add3A_64, %mul3A_80 : i32
      %swap3A_82 = arith.constant 1 : i32
      %swap3A_83 = arith.index_cast %swap3A_82 : i32 to index
      %swap3A_84 = arith.index_cast %mul3A_81 : i32 to index
      %swap3A_85 = tpu.vector_load %arg7[%swap3A_83, %swap3A_84] {strides = array<i32>} : memref<2x128xi32, #tpu.memory_space<vmem>>, vector<1x16xi32>,
      %swap3A_86 = vector.shape_cast %swap3A_85 : vector<1x16xi32> to vector<16xi32>
      %swap3A_87 = vector.shape_cast %shift_right_logical3A_79 : vector<16xi32> to vector<1x16xi32>
      tpu.vector_store %arg7[%swap3A_83, %swap3A_84], %swap3A_87 {strides = array<i32>} : memref<2x128xi32, #tpu.memory_space<vmem>>, vector<1x16xi32>,
    }
    %scan3A_22 = arith.constant 8 : i32
    %dma_start3A = arith.constant 0 : i32
    %dma_start3A_23 = arith.constant 0 : i32
    %dma_start3A_24 = tpu.memref_slice %arg6[%dma_start3A, %dma_start3A_23] : memref<2x128xi32, #tpu.memory_space<vmem>> -> memref<1x128xi32, #tpu.memory_space<vmem>>
    %dma_start3A_25 = tpu.memref_squeeze %dma_start3A_24 : memref<1x128xi32, #tpu.memory_space<vmem>> -> memref<128xi32, #tpu.memory_space<vmem>>
    %dma_start3A_26 = arith.constant 0 : i32
    %dma_start3A_27 = arith.constant 0 : i32
    %dma_start3A_28 = tpu.memref_slice %arg3[%dma_start3A_26, %dma_start3A_27] : memref<10000x128xf32, #tpu.memory_space<hbm>> -> memref<10000x128xf32, #tpu.memory_space<hbm>>
    tpu.enqueue_indirect_dma source(%dma_start3A_28 : memref<10000x128xf32, #tpu.memory_space<hbm>>) target(%arg8 : memref<128x128xf32, #tpu.memory_space<vmem>>) offsets(%dma_start3A_25 : memref<128xi32, #tpu.memory_space<vmem>>) semaphore(%arg11 : memref<!tpu.dma_semaphore, #tpu.memory_space<semaphore_mem>>)
    %dma_start3A_29 = arith.constant 1 : i32
    %dma_start3A_30 = arith.constant 0 : i32
    %dma_start3A_31 = tpu.memref_slice %arg6[%dma_start3A_29, %dma_start3A_30] : memref<2x128xi32, #tpu.memory_space<vmem>> -> memref<1x128xi32, #tpu.memory_space<vmem>>
    %dma_start3A_32 = tpu.memref_squeeze %dma_start3A_31 : memref<1x128xi32, #tpu.memory_space<vmem>> -> memref<128xi32, #tpu.memory_space<vmem>>
    %dma_start3A_33 = arith.constant 0 : i32
    %dma_start3A_34 = arith.constant 0 : i32
    %dma_start3A_35 = tpu.memref_slice %arg3[%dma_start3A_33, %dma_start3A_34] : memref<10000x128xf32, #tpu.memory_space<hbm>> -> memref<10000x128xf32, #tpu.memory_space<hbm>>
    tpu.enqueue_indirect_dma source(%dma_start3A_35 : memref<10000x128xf32, #tpu.memory_space<hbm>>) target(%arg9 : memref<128x128xf32, #tpu.memory_space<vmem>>) offsets(%dma_start3A_32 : memref<128xi32, #tpu.memory_space<vmem>>) semaphore(%arg12 : memref<!tpu.dma_semaphore, #tpu.memory_space<semaphore_mem>>)
    %scan3A_36 = arith.constant 0 : i32
    %scan3A_37 = arith.constant 40 : i32
    %scan3A_38 = arith.addi %scan3A_36, %scan3A_37 : i32
    %scan3A_39 = arith.constant 1 : i32
    scf.for %scan3A_60 = %scan3A_36 to %scan3A_38 step %scan3A_39  : i32 {
      %mul3A_61 = arith.constant 1 : i32
      %mul3A_62 = arith.muli %scan3A_60, %mul3A_61 : i32
      %add3A_63 = arith.constant 0 : i32
      %add3A_64 = arith.addi %add3A_63, %mul3A_62 : i32
      %mul3A_65 = arith.constant 2 : i32
      %mul3A_66 = arith.muli %mul3A_65, %add3A_64 : i32
      %dma_wait3A_67 = arith.constant 0 : i32
      %dma_wait3A_68 = arith.constant 0 : i32
      %dma_wait3A_69 = tpu.memref_slice %arg6[%dma_wait3A_67, %dma_wait3A_68] : memref<2x128xi32, #tpu.memory_space<vmem>> -> memref<1x128xi32, #tpu.memory_space<vmem>>
      %dma_wait3A_70 = tpu.memref_squeeze %dma_wait3A_69 : memref<1x128xi32, #tpu.memory_space<vmem>> -> memref<128xi32, #tpu.memory_space<vmem>>
      %dma_wait3A_71 = arith.constant 0 : i32
      %dma_wait3A_72 = arith.constant 0 : i32
      %dma_wait3A_73 = tpu.memref_slice %arg3[%dma_wait3A_71, %dma_wait3A_72] : memref<10000x128xf32, #tpu.memory_space<hbm>> -> memref<10000x128xf32, #tpu.memory_space<hbm>>
      tpu.wait_indirect_dma semaphore(%arg11 : memref<!tpu.dma_semaphore, #tpu.memory_space<semaphore_mem>>) src(%dma_wait3A_73 : memref<10000x128xf32, #tpu.memory_space<hbm>>) dst(%arg8 : memref<128x128xf32, #tpu.memory_space<vmem>>)
      %run_scoped3A = arith.constant 0 : i32
      "tpu.region"() ({
        %run_scoped3A_113 = tpu.sem_alloc : memref<!tpu.dma_semaphore, #tpu.memory_space<semaphore_mem>>
        %dma_start3A_114 = arith.constant 0 : i32
        %dma_start3A_115 = tpu.memref_slice %arg7[%run_scoped3A, %dma_start3A_114] : memref<2x128xi32, #tpu.memory_space<vmem>> -> memref<1x128xi32, #tpu.memory_space<vmem>>
        %dma_start3A_116 = tpu.memref_squeeze %dma_start3A_115 : memref<1x128xi32, #tpu.memory_space<vmem>> -> memref<128xi32, #tpu.memory_space<vmem>>
        %dma_start3A_117 = arith.constant 0 : i32
        %dma_start3A_118 = arith.constant 0 : i32
        %dma_start3A_119 = tpu.memref_slice %arg10[%dma_start3A_117, %dma_start3A_118] : memref<10240x128xf32, #tpu.memory_space<vmem_shared>> -> memref<10240x128xf32, #tpu.memory_space<vmem_shared>>
        tpu.enqueue_indirect_dma source(%arg8 : memref<128x128xf32, #tpu.memory_space<vmem>>) target(%dma_start3A_119 : memref<10240x128xf32, #tpu.memory_space<vmem_shared>>) offsets(%dma_start3A_116 : memref<128xi32, #tpu.memory_space<vmem>>) semaphore(%run_scoped3A_113 : memref<!tpu.dma_semaphore, #tpu.memory_space<semaphore_mem>>) {add = true}
        %dma_wait3A_120 = arith.constant 0 : i32
        %dma_wait3A_121 = tpu.memref_slice %arg7[%run_scoped3A, %dma_wait3A_120] : memref<2x128xi32, #tpu.memory_space<vmem>> -> memref<1x128xi32, #tpu.memory_space<vmem>>
        %dma_wait3A_122 = tpu.memref_squeeze %dma_wait3A_121 : memref<1x128xi32, #tpu.memory_space<vmem>> -> memref<128xi32, #tpu.memory_space<vmem>>
        %dma_wait3A_123 = arith.constant 0 : i32
        %dma_wait3A_124 = arith.constant 0 : i32
        %dma_wait3A_125 = tpu.memref_slice %arg10[%dma_wait3A_123, %dma_wait3A_124] : memref<10240x128xf32, #tpu.memory_space<vmem_shared>> -> memref<10240x128xf32, #tpu.memory_space<vmem_shared>>
        tpu.wait_indirect_dma semaphore(%run_scoped3A_113 : memref<!tpu.dma_semaphore, #tpu.memory_space<semaphore_mem>>) src(%arg8 : memref<128x128xf32, #tpu.memory_space<vmem>>) dst(%dma_wait3A_125 : memref<10240x128xf32, #tpu.memory_space<vmem_shared>>)
        tpu.yield
      }) : () -> ()
      %add3A_74 = arith.constant 2 : i32
      %add3A_75 = arith.addi %mul3A_66, %add3A_74 : i32
      %min3A = arith.constant 78 : i32
      %min3A_76 = arith.minsi %add3A_75, %min3A : i32
      %scan3A_77 = arith.constant 0 : i32
      %scan3A_78 = arith.constant 8 : i32
      %scan3A_79 = arith.addi %scan3A_77, %scan3A_78 : i32
      %scan3A_80 = arith.constant 1 : i32
      scf.for %scan3A_113 = %scan3A_77 to %scan3A_79 step %scan3A_80  : i32 {
        %mul3A_114 = arith.constant 1 : i32
        %mul3A_115 = arith.muli %scan3A_113, %mul3A_114 : i32
        %add3A_116 = arith.constant 0 : i32
        %add3A_117 = arith.addi %add3A_116, %mul3A_115 : i32
        %mul3A_118 = arith.constant 16 : i32
        %mul3A_119 = arith.muli %add3A_117, %mul3A_118 : i32
        %get3A = arith.index_cast %min3A_76 : i32 to index
        %get3A_120 = arith.index_cast %mul3A_119 : i32 to index
        %get3A_121 = tpu.vector_load %arg5[%get3A, %get3A_120] {strides = array<i32>} : memref<80x128xi32, #tpu.memory_space<vmem>>, vector<1x16xi32>,
        %get3A_122 = vector.shape_cast %get3A_121 : vector<1x16xi32> to vector<16xi32>
        %and3A = arith.andi %get3A_122, %broadcast_in_dim3A_3 : vector<16xi32>
        %mul3A_123 = arith.constant 16 : i32
        %mul3A_124 = arith.muli %add3A_117, %mul3A_123 : i32
        %swap3A = arith.constant 0 : i32
        %swap3A_125 = arith.index_cast %swap3A : i32 to index
        %swap3A_126 = arith.index_cast %mul3A_124 : i32 to index
        %swap3A_127 = tpu.vector_load %arg6[%swap3A_125, %swap3A_126] {strides = array<i32>} : memref<2x128xi32, #tpu.memory_space<vmem>>, vector<1x16xi32>,
        %swap3A_128 = vector.shape_cast %swap3A_127 : vector<1x16xi32> to vector<16xi32>
        %swap3A_129 = vector.shape_cast %and3A : vector<16xi32> to vector<1x16xi32>
        tpu.vector_store %arg6[%swap3A_125, %swap3A_126], %swap3A_129 {strides = array<i32>} : memref<2x128xi32, #tpu.memory_space<vmem>>, vector<1x16xi32>,
        %shift_right_logical3A = arith.constant 16 : i32
        %shift_right_logical3A_130 = vector.broadcast %shift_right_logical3A : i32 to vector<16xi32>
        %shift_right_logical3A_131 = arith.shrui %get3A_122, %shift_right_logical3A_130 : vector<16xi32>
        %mul3A_132 = arith.constant 16 : i32
        %mul3A_133 = arith.muli %add3A_117, %mul3A_132 : i32
        %swap3A_134 = arith.constant 0 : i32
        %swap3A_135 = arith.index_cast %swap3A_134 : i32 to index
        %swap3A_136 = arith.index_cast %mul3A_133 : i32 to index
        %swap3A_137 = tpu.vector_load %arg7[%swap3A_135, %swap3A_136] {strides = array<i32>} : memref<2x128xi32, #tpu.memory_space<vmem>>, vector<1x16xi32>,
        %swap3A_138 = vector.shape_cast %swap3A_137 : vector<1x16xi32> to vector<16xi32>
        %swap3A_139 = vector.shape_cast %shift_right_logical3A_131 : vector<16xi32> to vector<1x16xi32>
        tpu.vector_store %arg7[%swap3A_135, %swap3A_136], %swap3A_139 {strides = array<i32>} : memref<2x128xi32, #tpu.memory_space<vmem>>, vector<1x16xi32>,
      }
      %scan3A_81 = arith.constant 8 : i32
      %dma_start3A_82 = arith.constant 0 : i32
      %dma_start3A_83 = arith.constant 0 : i32
      %dma_start3A_84 = tpu.memref_slice %arg6[%dma_start3A_82, %dma_start3A_83] : memref<2x128xi32, #tpu.memory_space<vmem>> -> memref<1x128xi32, #tpu.memory_space<vmem>>
      %dma_start3A_85 = tpu.memref_squeeze %dma_start3A_84 : memref<1x128xi32, #tpu.memory_space<vmem>> -> memref<128xi32, #tpu.memory_space<vmem>>
      %dma_start3A_86 = arith.constant 0 : i32
      %dma_start3A_87 = arith.constant 0 : i32
      %dma_start3A_88 = tpu.memref_slice %arg3[%dma_start3A_86, %dma_start3A_87] : memref<10000x128xf32, #tpu.memory_space<hbm>> -> memref<10000x128xf32, #tpu.memory_space<hbm>>
      tpu.enqueue_indirect_dma source(%dma_start3A_88 : memref<10000x128xf32, #tpu.memory_space<hbm>>) target(%arg8 : memref<128x128xf32, #tpu.memory_space<vmem>>) offsets(%dma_start3A_85 : memref<128xi32, #tpu.memory_space<vmem>>) semaphore(%arg11 : memref<!tpu.dma_semaphore, #tpu.memory_space<semaphore_mem>>)
      %dma_wait3A_89 = arith.constant 1 : i32
      %dma_wait3A_90 = arith.constant 0 : i32
      %dma_wait3A_91 = tpu.memref_slice %arg6[%dma_wait3A_89, %dma_wait3A_90] : memref<2x128xi32, #tpu.memory_space<vmem>> -> memref<1x128xi32, #tpu.memory_space<vmem>>
      %dma_wait3A_92 = tpu.memref_squeeze %dma_wait3A_91 : memref<1x128xi32, #tpu.memory_space<vmem>> -> memref<128xi32, #tpu.memory_space<vmem>>
      %dma_wait3A_93 = arith.constant 0 : i32
      %dma_wait3A_94 = arith.constant 0 : i32
      %dma_wait3A_95 = tpu.memref_slice %arg3[%dma_wait3A_93, %dma_wait3A_94] : memref<10000x128xf32, #tpu.memory_space<hbm>> -> memref<10000x128xf32, #tpu.memory_space<hbm>>
      tpu.wait_indirect_dma semaphore(%arg12 : memref<!tpu.dma_semaphore, #tpu.memory_space<semaphore_mem>>) src(%dma_wait3A_95 : memref<10000x128xf32, #tpu.memory_space<hbm>>) dst(%arg9 : memref<128x128xf32, #tpu.memory_space<vmem>>)
      %run_scoped3A_96 = arith.constant 1 : i32
      "tpu.region"() ({
        %run_scoped3A_113 = tpu.sem_alloc : memref<!tpu.dma_semaphore, #tpu.memory_space<semaphore_mem>>
        %dma_start3A_114 = arith.constant 0 : i32
        %dma_start3A_115 = tpu.memref_slice %arg7[%run_scoped3A_96, %dma_start3A_114] : memref<2x128xi32, #tpu.memory_space<vmem>> -> memref<1x128xi32, #tpu.memory_space<vmem>>
        %dma_start3A_116 = tpu.memref_squeeze %dma_start3A_115 : memref<1x128xi32, #tpu.memory_space<vmem>> -> memref<128xi32, #tpu.memory_space<vmem>>
        %dma_start3A_117 = arith.constant 0 : i32
        %dma_start3A_118 = arith.constant 0 : i32
        %dma_start3A_119 = tpu.memref_slice %arg10[%dma_start3A_117, %dma_start3A_118] : memref<10240x128xf32, #tpu.memory_space<vmem_shared>> -> memref<10240x128xf32, #tpu.memory_space<vmem_shared>>
        tpu.enqueue_indirect_dma source(%arg9 : memref<128x128xf32, #tpu.memory_space<vmem>>) target(%dma_start3A_119 : memref<10240x128xf32, #tpu.memory_space<vmem_shared>>) offsets(%dma_start3A_116 : memref<128xi32, #tpu.memory_space<vmem>>) semaphore(%run_scoped3A_113 : memref<!tpu.dma_semaphore, #tpu.memory_space<semaphore_mem>>) {add = true}
        %dma_wait3A_120 = arith.constant 0 : i32
        %dma_wait3A_121 = tpu.memref_slice %arg7[%run_scoped3A_96, %dma_wait3A_120] : memref<2x128xi32, #tpu.memory_space<vmem>> -> memref<1x128xi32, #tpu.memory_space<vmem>>
        %dma_wait3A_122 = tpu.memref_squeeze %dma_wait3A_121 : memref<1x128xi32, #tpu.memory_space<vmem>> -> memref<128xi32, #tpu.memory_space<vmem>>
        %dma_wait3A_123 = arith.constant 0 : i32
        %dma_wait3A_124 = arith.constant 0 : i32
        %dma_wait3A_125 = tpu.memref_slice %arg10[%dma_wait3A_123, %dma_wait3A_124] : memref<10240x128xf32, #tpu.memory_space<vmem_shared>> -> memref<10240x128xf32, #tpu.memory_space<vmem_shared>>
        tpu.wait_indirect_dma semaphore(%run_scoped3A_113 : memref<!tpu.dma_semaphore, #tpu.memory_space<semaphore_mem>>) src(%arg9 : memref<128x128xf32, #tpu.memory_space<vmem>>) dst(%dma_wait3A_125 : memref<10240x128xf32, #tpu.memory_space<vmem_shared>>)
        tpu.yield
      }) : () -> ()
      %add3A_97 = arith.constant 3 : i32
      %add3A_98 = arith.addi %mul3A_66, %add3A_97 : i32
      %min3A_99 = arith.constant 79 : i32
      %min3A_100 = arith.minsi %add3A_98, %min3A_99 : i32
      %scan3A_101 = arith.constant 0 : i32
      %scan3A_102 = arith.constant 8 : i32
      %scan3A_103 = arith.addi %scan3A_101, %scan3A_102 : i32
      %scan3A_104 = arith.constant 1 : i32
      scf.for %scan3A_113 = %scan3A_101 to %scan3A_103 step %scan3A_104  : i32 {
        %mul3A_114 = arith.constant 1 : i32
        %mul3A_115 = arith.muli %scan3A_113, %mul3A_114 : i32
        %add3A_116 = arith.constant 0 : i32
        %add3A_117 = arith.addi %add3A_116, %mul3A_115 : i32
        %mul3A_118 = arith.constant 16 : i32
        %mul3A_119 = arith.muli %add3A_117, %mul3A_118 : i32
        %get3A = arith.index_cast %min3A_100 : i32 to index
        %get3A_120 = arith.index_cast %mul3A_119 : i32 to index
        %get3A_121 = tpu.vector_load %arg5[%get3A, %get3A_120] {strides = array<i32>} : memref<80x128xi32, #tpu.memory_space<vmem>>, vector<1x16xi32>,
        %get3A_122 = vector.shape_cast %get3A_121 : vector<1x16xi32> to vector<16xi32>
        %and3A = arith.andi %get3A_122, %broadcast_in_dim3A_3 : vector<16xi32>
        %mul3A_123 = arith.constant 16 : i32
        %mul3A_124 = arith.muli %add3A_117, %mul3A_123 : i32
        %swap3A = arith.constant 1 : i32
        %swap3A_125 = arith.index_cast %swap3A : i32 to index
        %swap3A_126 = arith.index_cast %mul3A_124 : i32 to index
        %swap3A_127 = tpu.vector_load %arg6[%swap3A_125, %swap3A_126] {strides = array<i32>} : memref<2x128xi32, #tpu.memory_space<vmem>>, vector<1x16xi32>,
        %swap3A_128 = vector.shape_cast %swap3A_127 : vector<1x16xi32> to vector<16xi32>
        %swap3A_129 = vector.shape_cast %and3A : vector<16xi32> to vector<1x16xi32>
        tpu.vector_store %arg6[%swap3A_125, %swap3A_126], %swap3A_129 {strides = array<i32>} : memref<2x128xi32, #tpu.memory_space<vmem>>, vector<1x16xi32>,
        %shift_right_logical3A = arith.constant 16 : i32
        %shift_right_logical3A_130 = vector.broadcast %shift_right_logical3A : i32 to vector<16xi32>
        %shift_right_logical3A_131 = arith.shrui %get3A_122, %shift_right_logical3A_130 : vector<16xi32>
        %mul3A_132 = arith.constant 16 : i32
        %mul3A_133 = arith.muli %add3A_117, %mul3A_132 : i32
        %swap3A_134 = arith.constant 1 : i32
        %swap3A_135 = arith.index_cast %swap3A_134 : i32 to index
        %swap3A_136 = arith.index_cast %mul3A_133 : i32 to index
        %swap3A_137 = tpu.vector_load %arg7[%swap3A_135, %swap3A_136] {strides = array<i32>} : memref<2x128xi32, #tpu.memory_space<vmem>>, vector<1x16xi32>,
        %swap3A_138 = vector.shape_cast %swap3A_137 : vector<1x16xi32> to vector<16xi32>
        %swap3A_139 = vector.shape_cast %shift_right_logical3A_131 : vector<16xi32> to vector<1x16xi32>
        tpu.vector_store %arg7[%swap3A_135, %swap3A_136], %swap3A_139 {strides = array<i32>} : memref<2x128xi32, #tpu.memory_space<vmem>>, vector<1x16xi32>,
      }
      %scan3A_105 = arith.constant 8 : i32
      %dma_start3A_106 = arith.constant 1 : i32
      %dma_start3A_107 = arith.constant 0 : i32
      %dma_start3A_108 = tpu.memref_slice %arg6[%dma_start3A_106, %dma_start3A_107] : memref<2x128xi32, #tpu.memory_space<vmem>> -> memref<1x128xi32, #tpu.memory_space<vmem>>
      %dma_start3A_109 = tpu.memref_squeeze %dma_start3A_108 : memref<1x128xi32, #tpu.memory_space<vmem>> -> memref<128xi32, #tpu.memory_space<vmem>>
      %dma_start3A_110 = arith.constant 0 : i32
      %dma_start3A_111 = arith.constant 0 : i32
      %dma_start3A_112 = tpu.memref_slice %arg3[%dma_start3A_110, %dma_start3A_111] : memref<10000x128xf32, #tpu.memory_space<hbm>> -> memref<10000x128xf32, #tpu.memory_space<hbm>>
      tpu.enqueue_indirect_dma source(%dma_start3A_112 : memref<10000x128xf32, #tpu.memory_space<hbm>>) target(%arg9 : memref<128x128xf32, #tpu.memory_space<vmem>>) offsets(%dma_start3A_109 : memref<128xi32, #tpu.memory_space<vmem>>) semaphore(%arg12 : memref<!tpu.dma_semaphore, #tpu.memory_space<semaphore_mem>>)
    }
    %scan3A_40 = arith.constant 40 : i32
    %dma_wait3A = arith.constant 0 : i32
    %dma_wait3A_41 = arith.constant 0 : i32
    %dma_wait3A_42 = tpu.memref_slice %arg6[%dma_wait3A, %dma_wait3A_41] : memref<2x128xi32, #tpu.memory_space<vmem>> -> memref<1x128xi32, #tpu.memory_space<vmem>>
    %dma_wait3A_43 = tpu.memref_squeeze %dma_wait3A_42 : memref<1x128xi32, #tpu.memory_space<vmem>> -> memref<128xi32, #tpu.memory_space<vmem>>
    %dma_wait3A_44 = arith.constant 0 : i32
    %dma_wait3A_45 = arith.constant 0 : i32
    %dma_wait3A_46 = tpu.memref_slice %arg3[%dma_wait3A_44, %dma_wait3A_45] : memref<10000x128xf32, #tpu.memory_space<hbm>> -> memref<10000x128xf32, #tpu.memory_space<hbm>>
    tpu.wait_indirect_dma semaphore(%arg11 : memref<!tpu.dma_semaphore, #tpu.memory_space<semaphore_mem>>) src(%dma_wait3A_46 : memref<10000x128xf32, #tpu.memory_space<hbm>>) dst(%arg8 : memref<128x128xf32, #tpu.memory_space<vmem>>)
    %dma_wait3A_47 = arith.constant 1 : i32
    %dma_wait3A_48 = arith.constant 0 : i32
    %dma_wait3A_49 = tpu.memref_slice %arg6[%dma_wait3A_47, %dma_wait3A_48] : memref<2x128xi32, #tpu.memory_space<vmem>> -> memref<1x128xi32, #tpu.memory_space<vmem>>
    %dma_wait3A_50 = tpu.memref_squeeze %dma_wait3A_49 : memref<1x128xi32, #tpu.memory_space<vmem>> -> memref<128xi32, #tpu.memory_space<vmem>>
    %dma_wait3A_51 = arith.constant 0 : i32
    %dma_wait3A_52 = arith.constant 0 : i32
    %dma_wait3A_53 = tpu.memref_slice %arg3[%dma_wait3A_51, %dma_wait3A_52] : memref<10000x128xf32, #tpu.memory_space<hbm>> -> memref<10000x128xf32, #tpu.memory_space<hbm>>
    tpu.wait_indirect_dma semaphore(%arg12 : memref<!tpu.dma_semaphore, #tpu.memory_space<semaphore_mem>>) src(%dma_wait3A_53 : memref<10000x128xf32, #tpu.memory_space<hbm>>) dst(%arg9 : memref<128x128xf32, #tpu.memory_space<vmem>>)
    %barrier3A_54 = arith.constant 0 : index
    tpu.barrier barrier_id(%barrier3A_54)
    %scan3A_55 = arith.constant 0 : i32
    %scan3A_56 = arith.constant 5 : i32
    %scan3A_57 = arith.addi %scan3A_55, %scan3A_56 : i32
    %scan3A_58 = arith.constant 1 : i32
    scf.for %scan3A_60 = %scan3A_55 to %scan3A_57 step %scan3A_58  : i32 {
      %mul3A_61 = arith.constant 1 : i32
      %mul3A_62 = arith.muli %scan3A_60, %mul3A_61 : i32
      %add3A_63 = arith.constant 0 : i32
      %add3A_64 = arith.addi %add3A_63, %mul3A_62 : i32
      %mul3A_65 = arith.constant 640 : i32
      %mul3A_66 = arith.muli %arg1, %mul3A_65 : i32
      %mul3A_67 = arith.constant 128 : i32
      %mul3A_68 = arith.muli %add3A_64, %mul3A_67 : i32
      %add3A_69 = arith.addi %mul3A_66, %mul3A_68 : i32
      "tpu.region"() ({
        %run_scoped3A = tpu.sem_alloc : memref<!tpu.dma_semaphore, #tpu.memory_space<semaphore_mem>>
        %dma_start3A_70 = arith.constant 0 : i32
        %dma_start3A_71 = arith.constant 0 : i32
        %dma_start3A_72 = tpu.memref_slice %arg4[%arg0, %dma_start3A_70, %dma_start3A_71] : memref<2x10240x128xf32, #tpu.memory_space<hbm>> -> memref<1x10240x128xf32, #tpu.memory_space<hbm>>
        %dma_start3A_73 = tpu.memref_squeeze %dma_start3A_72 : memref<1x10240x128xf32, #tpu.memory_space<hbm>> -> memref<10240x128xf32, #tpu.memory_space<hbm>>
        %dma_start3A_74 = arith.constant 0 : i32
        %dma_start3A_75 = tpu.memref_slice %dma_start3A_73[%add3A_69, %dma_start3A_74] : memref<10240x128xf32, #tpu.memory_space<hbm>> -> memref<128x128xf32, #tpu.memory_space<hbm>>
        %dma_start3A_76 = arith.constant 0 : i32
        %dma_start3A_77 = tpu.memref_slice %arg10[%add3A_69, %dma_start3A_76] : memref<10240x128xf32, #tpu.memory_space<vmem_shared>> -> memref<128x128xf32, #tpu.memory_space<vmem_shared>>
        tpu.enqueue_dma source(%dma_start3A_77 : memref<128x128xf32, #tpu.memory_space<vmem_shared>>) target(%dma_start3A_75 : memref<128x128xf32, #tpu.memory_space<hbm>>) target_semaphore(%run_scoped3A : memref<!tpu.dma_semaphore, #tpu.memory_space<semaphore_mem>>)
        %dma_wait3A_78 = arith.constant 0 : i32
        %dma_wait3A_79 = arith.constant 0 : i32
        %dma_wait3A_80 = tpu.memref_slice %arg4[%arg0, %dma_wait3A_78, %dma_wait3A_79] : memref<2x10240x128xf32, #tpu.memory_space<hbm>> -> memref<1x10240x128xf32, #tpu.memory_space<hbm>>
        %dma_wait3A_81 = tpu.memref_squeeze %dma_wait3A_80 : memref<1x10240x128xf32, #tpu.memory_space<hbm>> -> memref<10240x128xf32, #tpu.memory_space<hbm>>
        %dma_wait3A_82 = arith.constant 0 : i32
        %dma_wait3A_83 = tpu.memref_slice %dma_wait3A_81[%add3A_69, %dma_wait3A_82] : memref<10240x128xf32, #tpu.memory_space<hbm>> -> memref<128x128xf32, #tpu.memory_space<hbm>>
        %dma_wait3A_84 = arith.constant 0 : i32
        %dma_wait3A_85 = tpu.memref_slice %arg10[%add3A_69, %dma_wait3A_84] : memref<10240x128xf32, #tpu.memory_space<vmem_shared>> -> memref<128x128xf32, #tpu.memory_space<vmem_shared>>
        tpu.wait_dma2 semaphore(%run_scoped3A : memref<!tpu.dma_semaphore, #tpu.memory_space<semaphore_mem>>) src(%dma_wait3A_85 : memref<128x128xf32, #tpu.memory_space<vmem_shared>>) dst(%dma_wait3A_83 : memref<128x128xf32, #tpu.memory_space<hbm>>)
        tpu.yield
      }) : () -> ()
    }
    %scan3A_59 = arith.constant 5 : i32
    return
  }
}

module attributes {stable_mosaic.version = 14 : i64} {
  func.func @_tc1_body(%arg0: i32, %arg1: memref<1024x128xf32, #tpu.memory_space<vmem>>, %arg2: memref<1024x128xf32, #tpu.memory_space<vmem>>, %arg3: memref<1024x128xf32, #tpu.memory_space<vmem>>, %arg4: memref<1024x128xf32, #tpu.memory_space<vmem>>, %arg5: memref<1024x128xf32, #tpu.memory_space<vmem>>, %arg6: memref<128x256xf32, #tpu.memory_space<vmem>>, %arg7: memref<1x256xf32, #tpu.memory_space<vmem>>, %arg8: memref<128x256xf32, #tpu.memory_space<vmem>>, %arg9: memref<256x128xf32, #tpu.memory_space<vmem>>, %arg10: memref<1024x256xf32, #tpu.memory_space<vmem>>, %arg11: memref<1024x128xf32, #tpu.memory_space<vmem>>) attributes {dimension_semantics = [#tpu.dimension_semantics<arbitrary>], iteration_bounds = array<i64: 10>, scalar_prefetch = 0 : i64, scratch_operands = 0 : i64, tpu.core_type = #tpu.core_type<tc>, window_params = [{transform_indices = @transform_0, window_bounds = array<i64: 1024, 128>}, {transform_indices = @transform_1, window_bounds = array<i64: 1024, 128>}, {transform_indices = @transform_2, window_bounds = array<i64: 1024, 128>}, {transform_indices = @transform_3, window_bounds = array<i64: 1024, 128>}, {transform_indices = @transform_4, window_bounds = array<i64: 1024, 128>}, {pipeline_mode = #tpu.pipeline_mode<synchronous>, transform_indices = @transform_5, window_bounds = array<i64: 128, 256>}, {pipeline_mode = #tpu.pipeline_mode<synchronous>, transform_indices = @transform_6, window_bounds = array<i64: 1, 256>}, {pipeline_mode = #tpu.pipeline_mode<synchronous>, transform_indices = @transform_7, window_bounds = array<i64: 128, 256>}, {pipeline_mode = #tpu.pipeline_mode<synchronous>, transform_indices = @transform_8, window_bounds = array<i64: 256, 128>}, {transform_indices = @transform_9, window_bounds = array<i64: 1024, 256>}, {transform_indices = @transform_10, window_bounds = array<i64: 1024, 128>}]} {
    %get3A = arith.constant 0 : index
    %get3A_0 = arith.constant 0 : index
    %get3A_1 = vector.load %arg3[%get3A, %get3A_0] : memref<1024x128xf32, #tpu.memory_space<vmem>>, vector<1024x128xf32>
    %slice3A = vector.extract_strided_slice %get3A_1 {offsets = [0, 0], sizes = [1024, 1], strides = [1, 1]} : vector<1024x128xf32> to vector<1024x1xf32>
    %get3A_2 = arith.constant 0 : index
    %get3A_3 = arith.constant 0 : index
    %get3A_4 = vector.load %arg4[%get3A_2, %get3A_3] : memref<1024x128xf32, #tpu.memory_space<vmem>>, vector<1024x128xf32>
    %slice3A_5 = vector.extract_strided_slice %get3A_4 {offsets = [0, 0], sizes = [1024, 1], strides = [1, 1]} : vector<1024x128xf32> to vector<1024x1xf32>
    %add3A = arith.addf %slice3A, %slice3A_5 : vector<1024x1xf32>
    %max3A = arith.constant 1.000000e+00 : f32
    %max3A_6 = vector.broadcast %max3A : f32 to vector<1024x1xf32>
    %max3A_7 = arith.maximumf %add3A, %max3A_6 : vector<1024x1xf32>
    %get3A_8 = arith.constant 0 : index
    %get3A_9 = arith.constant 0 : index
    %get3A_10 = vector.load %arg1[%get3A_8, %get3A_9] : memref<1024x128xf32, #tpu.memory_space<vmem>>, vector<1024x128xf32>
    %get3A_11 = arith.constant 0 : index
    %get3A_12 = arith.constant 0 : index
    %get3A_13 = vector.load %arg2[%get3A_11, %get3A_12] : memref<1024x128xf32, #tpu.memory_space<vmem>>, vector<1024x128xf32>
    %add3A_14 = arith.addf %get3A_10, %get3A_13 : vector<1024x128xf32>
    %div3A = vector.broadcast %max3A_7 : vector<1024x1xf32> to vector<1024x128xf32>
    %div3A_15 = arith.divf %add3A_14, %div3A : vector<1024x128xf32>
    %get3A_16 = arith.constant 0 : index
    %get3A_17 = arith.constant 0 : index
    %get3A_18 = vector.load %arg6[%get3A_16, %get3A_17] : memref<128x256xf32, #tpu.memory_space<vmem>>, vector<128x256xf32>
    %dot_general3A = arith.constant dense<0.000000e+00> : vector<1024x256xf32>
    %dot_general3A_19 = tpu.matmul %div3A_15, %get3A_18, %dot_general3A {dimension_numbers = #tpu.dot_dimension_numbers<[1], [0], [0], [1], [0, 0, 1, 1], [], []>, precision = #tpu.contract_precision<fp32>, transpose_lhs_hint = false} : vector<1024x128xf32>, vector<128x256xf32>, vector<1024x256xf32> -> vector<1024x256xf32>
    %get3A_20 = arith.constant 0 : index
    %get3A_21 = arith.constant 0 : index
    %get3A_22 = vector.load %arg5[%get3A_20, %get3A_21] : memref<1024x128xf32, #tpu.memory_space<vmem>>, vector<1024x128xf32>
    %get3A_23 = arith.constant 0 : index
    %get3A_24 = arith.constant 0 : index
    %get3A_25 = vector.load %arg8[%get3A_23, %get3A_24] : memref<128x256xf32, #tpu.memory_space<vmem>>, vector<128x256xf32>
    %dot_general3A_26 = arith.constant dense<0.000000e+00> : vector<1024x256xf32>
    %dot_general3A_27 = tpu.matmul %get3A_22, %get3A_25, %dot_general3A_26 {dimension_numbers = #tpu.dot_dimension_numbers<[1], [0], [0], [1], [0, 0, 1, 1], [], []>, precision = #tpu.contract_precision<fp32>, transpose_lhs_hint = false} : vector<1024x128xf32>, vector<128x256xf32>, vector<1024x256xf32> -> vector<1024x256xf32>
    %add3A_28 = arith.addf %dot_general3A_19, %dot_general3A_27 : vector<1024x256xf32>
    %get3A_29 = arith.constant 0 : index
    %get3A_30 = arith.constant 0 : index
    %get3A_31 = vector.load %arg7[%get3A_29, %get3A_30] : memref<1x256xf32, #tpu.memory_space<vmem>>, vector<1x256xf32>
    %add3A_32 = vector.broadcast %get3A_31 : vector<1x256xf32> to vector<1024x256xf32>
    %add3A_33 = arith.addf %add3A_28, %add3A_32 : vector<1024x256xf32>
    %max3A_34 = arith.constant 0.000000e+00 : f32
    %max3A_35 = vector.broadcast %max3A_34 : f32 to vector<1024x256xf32>
    %max3A_36 = arith.maximumf %add3A_33, %max3A_35 : vector<1024x256xf32>
    %swap3A = arith.constant 0 : index
    %swap3A_37 = arith.constant 0 : index
    %swap3A_38 = vector.load %arg10[%swap3A, %swap3A_37] : memref<1024x256xf32, #tpu.memory_space<vmem>>, vector<1024x256xf32>
    tpu.vector_store %arg10[%swap3A, %swap3A_37], %max3A_36 {strides = array<i32>} : memref<1024x256xf32, #tpu.memory_space<vmem>>, vector<1024x256xf32>,
    %get3A_39 = arith.constant 0 : index
    %get3A_40 = arith.constant 0 : index
    %get3A_41 = vector.load %arg9[%get3A_39, %get3A_40] : memref<256x128xf32, #tpu.memory_space<vmem>>, vector<256x128xf32>
    %dot_general3A_42 = arith.constant dense<0.000000e+00> : vector<1024x128xf32>
    %dot_general3A_43 = tpu.matmul %max3A_36, %get3A_41, %dot_general3A_42 {dimension_numbers = #tpu.dot_dimension_numbers<[1], [0], [0], [1], [0, 0, 1, 1], [], []>, precision = #tpu.contract_precision<fp32>, transpose_lhs_hint = false} : vector<1024x256xf32>, vector<256x128xf32>, vector<1024x128xf32> -> vector<1024x128xf32>
    %swap3A_44 = arith.constant 0 : index
    %swap3A_45 = arith.constant 0 : index
    %swap3A_46 = vector.load %arg11[%swap3A_44, %swap3A_45] : memref<1024x128xf32, #tpu.memory_space<vmem>>, vector<1024x128xf32>
    tpu.vector_store %arg11[%swap3A_44, %swap3A_45], %dot_general3A_43 {strides = array<i32>} : memref<1024x128xf32, #tpu.memory_space<vmem>>, vector<1024x128xf32>,
    return
  }
  func.func @transform_0(%arg0: i32) -> (i32, i32) {
    %c0_i32 = arith.constant 0 : i32
    %c0_i32_0 = arith.constant 0 : i32
    return %arg0, %c0_i32 : i32, i32
  }
  func.func @transform_1(%arg0: i32) -> (i32, i32) {
    %c0_i32 = arith.constant 0 : i32
    %c0_i32_0 = arith.constant 0 : i32
    return %arg0, %c0_i32 : i32, i32
  }
  func.func @transform_2(%arg0: i32) -> (i32, i32) {
    %c0_i32 = arith.constant 0 : i32
    %c0_i32_0 = arith.constant 0 : i32
    return %arg0, %c0_i32 : i32, i32
  }
  func.func @transform_3(%arg0: i32) -> (i32, i32) {
    %c0_i32 = arith.constant 0 : i32
    %c0_i32_0 = arith.constant 0 : i32
    return %arg0, %c0_i32 : i32, i32
  }
  func.func @transform_4(%arg0: i32) -> (i32, i32) {
    %c0_i32 = arith.constant 0 : i32
    %c0_i32_0 = arith.constant 0 : i32
    return %arg0, %c0_i32 : i32, i32
  }
  func.func @transform_5(%arg0: i32) -> (i32, i32) {
    %c0_i32 = arith.constant 0 : i32
    %c0_i32_0 = arith.constant 0 : i32
    %c0_i32_1 = arith.constant 0 : i32
    return %c0_i32, %c0_i32_0 : i32, i32
  }
  func.func @transform_6(%arg0: i32) -> (i32, i32) {
    %c0_i32 = arith.constant 0 : i32
    %c0_i32_0 = arith.constant 0 : i32
    %c0_i32_1 = arith.constant 0 : i32
    return %c0_i32, %c0_i32_0 : i32, i32
  }
  func.func @transform_7(%arg0: i32) -> (i32, i32) {
    %c0_i32 = arith.constant 0 : i32
    %c0_i32_0 = arith.constant 0 : i32
    %c0_i32_1 = arith.constant 0 : i32
    return %c0_i32, %c0_i32_0 : i32, i32
  }
  func.func @transform_8(%arg0: i32) -> (i32, i32) {
    %c0_i32 = arith.constant 0 : i32
    %c0_i32_0 = arith.constant 0 : i32
    %c0_i32_1 = arith.constant 0 : i32
    return %c0_i32, %c0_i32_0 : i32, i32
  }
  func.func @transform_9(%arg0: i32) -> (i32, i32) {
    %c0_i32 = arith.constant 0 : i32
    %c0_i32_0 = arith.constant 0 : i32
    return %arg0, %c0_i32 : i32, i32
  }
  func.func @transform_10(%arg0: i32) -> (i32, i32) {
    %c0_i32 = arith.constant 0 : i32
    %c0_i32_0 = arith.constant 0 : i32
    return %arg0, %c0_i32 : i32, i32
  }
}

module attributes {stable_mosaic.version = 14 : i64} {
  func.func @_tc2_body(%arg0: i32, %arg1: memref<1024x128xf32, #tpu.memory_space<vmem>>, %arg2: memref<1024x128xf32, #tpu.memory_space<vmem>>, %arg3: memref<1024x128xf32, #tpu.memory_space<vmem>>, %arg4: memref<1024x128xf32, #tpu.memory_space<vmem>>, %arg5: memref<1024x256xf32, #tpu.memory_space<vmem>>, %arg6: memref<256x128xf32, #tpu.memory_space<vmem>>, %arg7: memref<1x128xf32, #tpu.memory_space<vmem>>, %arg8: memref<1024x128xf32, #tpu.memory_space<vmem>>) attributes {dimension_semantics = [#tpu.dimension_semantics<arbitrary>], iteration_bounds = array<i64: 10>, scalar_prefetch = 0 : i64, scratch_operands = 0 : i64, tpu.core_type = #tpu.core_type<tc>, window_params = [{transform_indices = @transform_0, window_bounds = array<i64: 1024, 128>}, {transform_indices = @transform_1, window_bounds = array<i64: 1024, 128>}, {transform_indices = @transform_2, window_bounds = array<i64: 1024, 128>}, {transform_indices = @transform_3, window_bounds = array<i64: 1024, 128>}, {transform_indices = @transform_4, window_bounds = array<i64: 1024, 256>}, {pipeline_mode = #tpu.pipeline_mode<synchronous>, transform_indices = @transform_5, window_bounds = array<i64: 256, 128>}, {pipeline_mode = #tpu.pipeline_mode<synchronous>, transform_indices = @transform_6, window_bounds = array<i64: 1, 128>}, {transform_indices = @transform_7, window_bounds = array<i64: 1024, 128>}]} {
    %get3A = arith.constant 0 : index
    %get3A_0 = arith.constant 0 : index
    %get3A_1 = vector.load %arg3[%get3A, %get3A_0] : memref<1024x128xf32, #tpu.memory_space<vmem>>, vector<1024x128xf32>
    %slice3A = vector.extract_strided_slice %get3A_1 {offsets = [0, 0], sizes = [1024, 1], strides = [1, 1]} : vector<1024x128xf32> to vector<1024x1xf32>
    %get3A_2 = arith.constant 0 : index
    %get3A_3 = arith.constant 0 : index
    %get3A_4 = vector.load %arg4[%get3A_2, %get3A_3] : memref<1024x128xf32, #tpu.memory_space<vmem>>, vector<1024x128xf32>
    %slice3A_5 = vector.extract_strided_slice %get3A_4 {offsets = [0, 0], sizes = [1024, 1], strides = [1, 1]} : vector<1024x128xf32> to vector<1024x1xf32>
    %add3A = arith.addf %slice3A, %slice3A_5 : vector<1024x1xf32>
    %max3A = arith.constant 1.000000e+00 : f32
    %max3A_6 = vector.broadcast %max3A : f32 to vector<1024x1xf32>
    %max3A_7 = arith.maximumf %add3A, %max3A_6 : vector<1024x1xf32>
    %get3A_8 = arith.constant 0 : index
    %get3A_9 = arith.constant 0 : index
    %get3A_10 = vector.load %arg1[%get3A_8, %get3A_9] : memref<1024x128xf32, #tpu.memory_space<vmem>>, vector<1024x128xf32>
    %get3A_11 = arith.constant 0 : index
    %get3A_12 = arith.constant 0 : index
    %get3A_13 = vector.load %arg2[%get3A_11, %get3A_12] : memref<1024x128xf32, #tpu.memory_space<vmem>>, vector<1024x128xf32>
    %add3A_14 = arith.addf %get3A_10, %get3A_13 : vector<1024x128xf32>
    %div3A = vector.broadcast %max3A_7 : vector<1024x1xf32> to vector<1024x128xf32>
    %div3A_15 = arith.divf %add3A_14, %div3A : vector<1024x128xf32>
    %get3A_16 = arith.constant 0 : index
    %get3A_17 = arith.constant 0 : index
    %get3A_18 = vector.load %arg7[%get3A_16, %get3A_17] : memref<1x128xf32, #tpu.memory_space<vmem>>, vector<1x128xf32>
    %add3A_19 = vector.broadcast %get3A_18 : vector<1x128xf32> to vector<1024x128xf32>
    %add3A_20 = arith.addf %div3A_15, %add3A_19 : vector<1024x128xf32>
    %get3A_21 = arith.constant 0 : index
    %get3A_22 = arith.constant 0 : index
    %get3A_23 = vector.load %arg5[%get3A_21, %get3A_22] : memref<1024x256xf32, #tpu.memory_space<vmem>>, vector<1024x256xf32>
    %get3A_24 = arith.constant 0 : index
    %get3A_25 = arith.constant 0 : index
    %get3A_26 = vector.load %arg6[%get3A_24, %get3A_25] : memref<256x128xf32, #tpu.memory_space<vmem>>, vector<256x128xf32>
    %dot_general3A = arith.constant dense<0.000000e+00> : vector<1024x128xf32>
    %dot_general3A_27 = tpu.matmul %get3A_23, %get3A_26, %dot_general3A {dimension_numbers = #tpu.dot_dimension_numbers<[1], [0], [0], [1], [0, 0, 1, 1], [], []>, precision = #tpu.contract_precision<fp32>, transpose_lhs_hint = false} : vector<1024x256xf32>, vector<256x128xf32>, vector<1024x128xf32> -> vector<1024x128xf32>
    %add3A_28 = arith.addf %add3A_20, %dot_general3A_27 : vector<1024x128xf32>
    %swap3A = arith.constant 0 : index
    %swap3A_29 = arith.constant 0 : index
    %swap3A_30 = vector.load %arg8[%swap3A, %swap3A_29] : memref<1024x128xf32, #tpu.memory_space<vmem>>, vector<1024x128xf32>
    tpu.vector_store %arg8[%swap3A, %swap3A_29], %add3A_28 {strides = array<i32>} : memref<1024x128xf32, #tpu.memory_space<vmem>>, vector<1024x128xf32>,
    return
  }
  func.func @transform_0(%arg0: i32) -> (i32, i32) {
    %c0_i32 = arith.constant 0 : i32
    %c0_i32_0 = arith.constant 0 : i32
    return %arg0, %c0_i32 : i32, i32
  }
  func.func @transform_1(%arg0: i32) -> (i32, i32) {
    %c0_i32 = arith.constant 0 : i32
    %c0_i32_0 = arith.constant 0 : i32
    return %arg0, %c0_i32 : i32, i32
  }
  func.func @transform_2(%arg0: i32) -> (i32, i32) {
    %c0_i32 = arith.constant 0 : i32
    %c0_i32_0 = arith.constant 0 : i32
    return %arg0, %c0_i32 : i32, i32
  }
  func.func @transform_3(%arg0: i32) -> (i32, i32) {
    %c0_i32 = arith.constant 0 : i32
    %c0_i32_0 = arith.constant 0 : i32
    return %arg0, %c0_i32 : i32, i32
  }
  func.func @transform_4(%arg0: i32) -> (i32, i32) {
    %c0_i32 = arith.constant 0 : i32
    %c0_i32_0 = arith.constant 0 : i32
    return %arg0, %c0_i32 : i32, i32
  }
  func.func @transform_5(%arg0: i32) -> (i32, i32) {
    %c0_i32 = arith.constant 0 : i32
    %c0_i32_0 = arith.constant 0 : i32
    %c0_i32_1 = arith.constant 0 : i32
    return %c0_i32, %c0_i32_0 : i32, i32
  }
  func.func @transform_6(%arg0: i32) -> (i32, i32) {
    %c0_i32 = arith.constant 0 : i32
    %c0_i32_0 = arith.constant 0 : i32
    %c0_i32_1 = arith.constant 0 : i32
    return %c0_i32, %c0_i32_0 : i32, i32
  }
  func.func @transform_7(%arg0: i32) -> (i32, i32) {
    %c0_i32 = arith.constant 0 : i32
    %c0_i32_0 = arith.constant 0 : i32
    return %arg0, %c0_i32 : i32, i32
  }
}

</mosaic_0001>

<sc_bundles>
// kernel: kernel.10.cloned.1.call-start
scs
__scs_entry_jumppad:
0x0: {  	(pc) =	sbr.rel $0x88, $3  }
0x1: {  	(tag) =	ssettag $0x0;
	lr =	simm.s32 $0x1  }
0x2: {  	[smem:$0x3F99] =	sst lr;
	_ =	strace $0xD0000000  }
0x3: {  	_ = 	snop  }
0x4: {  	_ = 	snop  }
0x5: {  	_ = 	snop  }
0x6: {  	_ = 	snop  }
0x7: {  	_ = 	snop  }
__scs_overlays_trampoline_lowered:
0x8: {  	[smem:$0x3FA8] =	sst s0  }
0x9: {  	[smem:$0x3FA9] =	sst s1  }
0xa: {  	[smem:$0x3FAA] =	sst s2  }
0xb: {  	[smem:$0x3FAB] =	sst s3  }
0xc: {  	[smem:$0x3FAC] =	sst s4  }
0xd: {  	[smem:$0x3FAD] =	sst s5  }
0xe: {  	[smem:$0x3FAE] =	sst s6  }
0xf: {  	[smem:$0x3FAF] =	sst s7  }
0x10: {  	[smem:$0x3FB0] =	sst s8  }
0x11: {  	[smem:$0x3FB1] =	sst s9;
	s0 =	simm.s32 @!p0 $0x0  }
0x12: {  	s1 =	sld [smem:$0x3F97];
	s0 =	simm.s32 @p0 $0x1  }
0x13: {  	[smem:$0x3FB2] =	sst s0;
	s0 =	simm.s32 @!p1 $0x0  }
0x14: {  	s2 =	sld [smem:$0x3F96];
	s0 =	simm.s32 @p1 $0x1  }
0x15: {  	[smem:$0x3FB3] =	sst s0;
	s0 =	simm.s32 @!p2 $0x0  }
0x16: {  	s3 =	sld [smem:$0x3FDB];
	s0 =	simm.s32 @p2 $0x1  }
0x17: {  	s4 =	simm.s32 $0x1BF5;
	[smem:$0x3FB5] =	sst s0  }
0x18: {  	s0 =	sld [smem:$0x3F98];
	_ =	swait.ge [sflag:s4], $0x0  }
0x19: {  	s7 =	sld [smem:$0x3F99]  }
0x1a: {  	s8 =	sadd.s32 $0xFFFFE003, lr  }
0x1b: {  	s9 =	sadd.s32 $0xFFFFFEF7, lr;
	s5 =	simm.s32 $0xFFFFFFFF;
	p2 =	slt.u32 s8, $0xFFFFF086  }
0x1c: {  	p1 =	slt.u32 s9, $0xF7A;
	s5 =	simm.s32 @!p2 $0x0  }
0x1d: {  	s5 =	simm.s32 @p1 $0x1;
	p0 =	seq.s32 s7, s2  }
0x1e: {  	s7 =	smul.u32 @!p0 $0xF7A, s2;
	p2 =	seq.s32 @!p0 s5, $0x0  }
0x1f: {  	s9 =	smul.u32 $0xF7A, s1;
	s8 =	simm.s32 @!p0 $0x1BF5;
	p2 =	por !p2, p0  }
0x20: {  	[sflag:s8] =	ssyncset.s32 @!p0 $0xFFFFF086;
	s6 =	sadd.s32 @!p0 s3, s7;
	s7 =	simm.s32 @!p0 $0x108  }
0x21: {  	s3 =	sadd.s32 s3, s9;
	s6 =	sadd.s32 @!p0 $0x88, s6;
	s7 =	simm.s32 @p2 $0x1082  }
0x22: {  	[simem:s7], [sflag:s8] =	dma.local @!p0 [hbm:s6], $0xF7A  }
0x23: {  	s9 =	sor.u32 $0xD0000000, s2;
	s6 =	simm.s32 $0x108;
	_ =	swait.ge @!p0 [sflag:s8], $0x0  }
0x24: {  	s3 =	sadd.s32 $0x88, s3;
	s6 =	simm.s32 @!p1 $0x1082;
	[sflag:s4] =	ssyncset.s32 $0xFFFFF086  }
0x25: {  	[simem:s6], [sflag:s4] =	dma.local [hbm:s3], $0xF7A  }
0x26: {  	[smem:$0x3F99] =	sst s1;
	(tag) =	ssettag s2;
	_ =	strace s9  }
0x27: {  	s1 =	sld [smem:$0x3FA9]  }
0x28: {  	s2 =	sld [smem:$0x3FAA]  }
0x29: {  	s4 =	sld [smem:$0x3FAC]  }
0x2a: {  	p0 =	seq.s32 s5, $0x0;
	s5 =	sld [smem:$0x3FAD]  }
0x2b: {  	s6 =	sld [smem:$0x3FAE]  }
0x2c: {  	s7 =	sld [smem:$0x3FAF]  }
0x2d: {  	s3 =	simm.s32 $0x108;
	s8 =	sld [smem:$0x3FB0]  }
0x2e: {  	s3 =	simm.s32 @!p0 $0x1082;
	s9 =	sld [smem:$0x3FB1]  }
0x2f: {  	lr =	sadd.s32 s0, s3;
	s0 =	sld [smem:$0x3FA8]  }
0x30: {  	s3 =	sld [smem:$0x3FAB]  }
0x31: {  	[smem:$0x3FB4] =	sst s10  }
0x32: {  	s10 =	sld [smem:$0x3FB2];
	_ =	sdelay $0x3  }
0x33: {  	p0 =	seq.s32 s10, $0x1;
	s10 =	sld [smem:$0x3FB4];
	_ =	sdelay $0x3  }
0x34: {  	[smem:$0x3FB4] =	sst s10  }
0x35: {  	s10 =	sld [smem:$0x3FB3];
	_ =	sdelay $0x3  }
0x36: {  	p1 =	seq.s32 s10, $0x1;
	s10 =	sld [smem:$0x3FB4];
	_ =	sdelay $0x3  }
0x37: {  	[smem:$0x3FB4] =	sst s10  }
0x38: {  	s10 =	sld [smem:$0x3FB5]  }
0x39: {  	_ = 	snop;
	(pc) =	sbr.ind lr, $3  }
0x3a: {  	_ = 	snop  }
0x3b: {  	_ = 	snop  }
0x3c: {  	p2 =	seq.s32 s10, $0x1;
	s10 =	sld [smem:$0x3FB4]  }
0x3d: {  	_ =	shalt  }
0x3e: {  	_ =	shalt  }
0x3f: {  	_ =	shalt  }
0x40: {  	_ =	shalt  }
0x41: {  	_ =	shalt  }
0x42: {  	_ =	shalt  }
0x43: {  	_ =	shalt  }
0x44: {  	_ =	shalt  }
0x45: {  	_ =	shalt  }
0x46: {  	_ =	shalt  }
0x47: {  	_ =	shalt  }
0x48: {  	_ =	shalt  }
0x49: {  	_ =	shalt  }
0x4a: {  	_ =	shalt  }
0x4b: {  	_ =	shalt  }
0x4c: {  	_ =	shalt  }
0x4d: {  	_ =	shalt  }
0x4e: {  	_ =	shalt  }
0x4f: {  	_ =	shalt  }
0x50: {  	_ =	shalt  }
0x51: {  	_ =	shalt  }
0x52: {  	_ =	shalt  }
0x53: {  	_ =	shalt  }
0x54: {  	_ =	shalt  }
0x55: {  	_ =	shalt  }
0x56: {  	_ =	shalt  }
0x57: {  	_ =	shalt  }
0x58: {  	_ =	shalt  }
0x59: {  	_ =	shalt  }
0x5a: {  	_ =	shalt  }
0x5b: {  	_ =	shalt  }
0x5c: {  	_ =	shalt  }
0x5d: {  	_ =	shalt  }
0x5e: {  	_ =	shalt  }
0x5f: {  	_ =	shalt  }
0x60: {  	_ =	shalt  }
0x61: {  	_ =	shalt  }
0x62: {  	_ =	shalt  }
0x63: {  	_ =	shalt  }
0x64: {  	_ =	shalt  }
0x65: {  	_ =	shalt  }
0x66: {  	_ =	shalt  }
0x67: {  	_ =	shalt  }
0x68: {  	_ =	shalt  }
0x69: {  	_ =	shalt  }
0x6a: {  	_ =	shalt  }
0x6b: {  	_ =	shalt  }
0x6c: {  	_ =	shalt  }
0x6d: {  	_ =	shalt  }
0x6e: {  	_ =	shalt  }
0x6f: {  	_ =	shalt  }
0x70: {  	_ =	shalt  }
0x71: {  	_ =	shalt  }
0x72: {  	_ =	shalt  }
0x73: {  	_ =	shalt  }
0x74: {  	_ =	shalt  }
0x75: {  	_ =	shalt  }
0x76: {  	_ =	shalt  }
0x77: {  	_ =	shalt  }
0x78: {  	_ =	shalt  }
0x79: {  	_ =	shalt  }
0x7a: {  	_ =	shalt  }
0x7b: {  	_ =	shalt  }
0x7c: {  	_ =	shalt  }
0x7d: {  	_ =	shalt  }
0x7e: {  	_ =	shalt  }
0x7f: {  	_ =	shalt  }
0x80: {  	_ =	shalt  }
0x81: {  	_ =	shalt  }
0x82: {  	_ =	shalt  }
0x83: {  	_ =	shalt  }
0x84: {  	_ =	shalt  }
0x85: {  	_ =	shalt  }
0x86: {  	_ =	shalt  }
0x87: {  	_ =	shalt  }
.Lfunc_end0:
.L_simem_size_0:
called_computation.1_lowered:
.L_overlay_start_0:
0x88: {  	s2 =	sld [smem:$0x3FD9]  }
0x89: {  	s3 =	sld [smem:$0x3FFE];
	_ =	sdelay $0x1  }
0x8a: {  	s1 =	srdreg.scid  }
0x8b: {  	s0 =	sand.u32 $0x1, s1  }
0x8c: {  	s17 =	sshll.u32 s0, $0xA;
	s2 =	sadd.s32 s3, s2  }
0x8d: {  	s2 =	sadd.s32 s2, s17  }
0x8e: {  	[smem:$0x3FC0] =	sst s2  }
0x8f: {  	_ = 	snop  }
0x90: {  	s2 =	sld [smem:$0x3FC9]  }
0x91: {  	s18 =	sld [smem:$0x3FD0];
	(tm) =	ssettm $0x1  }
0x92: {  	s4 =	sld [smem:$0x3FFB];
	_ =	sdelay $0x3  }
0x93: {  	_ =	strace s4  }
0x94: {  	s4 =	sld [smem:$0x3FFC];
	_ =	sdelay $0x3  }
0x95: {  	_ =	strace s4  }
0x96: {  	s4 =	sld [smem:$0x3FFD];
	_ =	sdelay $0x3  }
0x97: {  	_ =	strace s4  }
0x98: {  	_ =	strace $0x8FFFFFFF  }
0x99: {  	s19 =	sld [smem:$0x3FDB];
	_ =	sdelay $0x1  }
0x9a: {  	s5 =	simm.s32 $_scs_section_size  }
0x9b: {  	s6 =	simm.s32 $_size__tile_overlayer_lowered;
	s7 =	simm.s32 $_tile_overlayer_lowered  }
0x9c: {  	s22 =	simm.s32 $0x1BFF;
	s21 =	sshll.u32 s7, $0x1;
	s4 =	sadd.s32 s5, s19  }
0x9d: {  	s8 =	simm.s32 $0x0;
	s20 =	sshll.u32 s6, $0x1;
	s6 =	sadd.s32 s21, s4  }
0x9e: {  	[timem:s8], [sflag:s22] =	dma.local [hbm:s6], s20  }
0x9f: {  	_ =	swait.ge [sflag:s22], s20  }
0xa0: {  	s5 =	ssub.s32 $0x0, s20;
	[sflag:s22] =	ssyncset.done $0x0  }
0xa1: {  	[sflag:s22] =	ssyncadd.s32 s5;
	_ =	sdelay $0x1  }
0xa2: {  	s23 =	simm.s32 $0x1B8B  }
0xa3: {  	_ =	swait.ge [sflag:s23], $0x1  }
0xa4: {  	[sflag:s23] =	ssyncset.done $0x0  }
0xa5: {  	s25 =	simm.s32 $0x1B8E;
	s24 =	sld [smem:$0x3FFE];
	[sflag:s23] =	ssyncadd.s32 $0xFFFFFFFF  }
0xa6: {  	s26 =	simm.s32 $execute0_lowered;
	[smem:$0x3FD2] =	sst s25  }
0xa7: {  	s6 =	sshll.u32 s26, $0x1;
	_ =	strace $0x80000046;
	[dreg:$0x1] =	wrdreg $0xFFFFFFFF  }
0xa8: {  	s28 =	simm.s32 $_size_execute0_lowered;
	s4 =	sadd.s32 s4, s6;
	[dreg:$0x0] =	wrdreg $0x0  }
0xa9: {  	s6 =	sshll.u32 s28, $0x1;
	[dreg:$0x2] =	wrdreg s4  }
0xaa: {  	[dreg:$0x3] =	wrdreg s6  }
0xab: {  	[dreg:$0x4] =	wrdreg $0xC0  }
0xac: {  	_ =	task [dreg:s8], $0x5FFFF  }
0xad: {  	[dreg:$0x1] =	wrdreg $0xFFFFFFFF  }
0xae: {  	[dreg:$0x0] =	wrdreg $0x60  }
0xaf: {  	[dreg:$0x2] =	wrdreg s18  }
0xb0: {  	[dreg:$0x3] =	wrdreg s2  }
0xb1: {  	[dreg:$0x4] =	wrdreg s24  }
0xb2: {  	[dreg:$0x5] =	wrdreg $0xAA000  }
0xb3: {  	[dreg:$0x6] =	wrdreg $0xA  }
0xb4: {  	_ =	task.clear_ibuf [dreg:s8], $0x7FFFF;
	_ =	strace $0x90000046  }
0xb5: {  	s29 =	simm.s32 $0xA;
	_ =	strace $0x80000048  }
0xb6: {  	_ =	swait.ge [sflag:s29], $0x1  }
0xb7: {  	[sflag:s29] =	ssyncadd.s32 $0xFFFFFFFF  }
0xb8: {  	_ =	strace $0x90000048  }
0xb9: {  	_ =	sfence  }
0xba: {  	s30 =	sld [smem:$0x0];
	_ =	sdelay $0x2  }
0xbb: {  	s31 =	sshll.u32 s1, $0xD;
	s1 =	sshrl.u32 s1, $0x2  }
0xbc: {  	s3 =	sand.u32 $0x4000, s31;
	s1 =	sadd.s32 s1, s30  }
0xbd: {  	s0 =	sor.u32 s3, s0;
	s1 =	sshll.u32 s1, $0x11  }
0xbe: {  	s0 =	sor.u32 s1, s0  }
0xbf: {  	s0 =	sadd.s32 $0x8F2B, s0  }
0xc0: {  	[sflag:s0] =	ssyncadd.remote.s32 $0x1  }
0xc1: {  	_ =	sfence.sel $0xFFFF  }
0xc2: {  	[dreg:$0x0] =	wrdreg $0xFFFFFFFF;
	(pc) =	sbr.abs _section_cstart, $3  }
0xc3: {  	[dreg:$0x1] =	wrdreg $0xFFFFFFFF  }
0xc4: {  	_ =	task.clear_ibuf [dreg:s8], $0x2FFFF;
	_ =	strace $0x9FFFFFFF  }
0xc5: {  	(tm) =	ssettm $0x7FFFFFFF  }
tec
execute0_lowered:
.L_overlay_start_1:
0x0: {  	(tag) =	ssettag $0x1  }
0x1: {  	s0 =	rddreg [dreg:$0x0]  }
0x2: {  	s1 =	rddreg [dreg:$0x1]  }
0x3: {  	s4 =	rddreg [dreg:$0x2]  }
0x4: {  	s2 =	rddreg [dreg:$0x3];
	s3 =	simm.s32 $0x0;
	s10 =	stileid.u32  }
0x5: {  	s5 =	srdreg.scid;
	s15 =	simm.s32 $0x2800;
	s8 =	smul.u32 $0x50000, s10  }
0x6: {  	s28 =	simm.s32 $0x1;
	s29 =	simm.s32 $0x2900;
	s19 =	smul.u32 $0x280, s10  }
0x7: {  	s30 =	simm.s32 $0x2;
	s5 =	sand.u32 $0x1, s5;
	s16 =	smul.u32 $0x2800, s10  }
0x8: {  	s31 =	simm.s32 $0x2980;
	[smem:$0x7FF] =	sst s3;
	s6 =	smul.u32 $0x28000, s5  }
0x9: {  	s7 =	sshll.u32 s5, $0x4;
	s5 =	ssub.s32 $0x2, s5;
	_ =	strace $0x80000047  }
0xa: {  	s7 =	sor.u32 s10, s7;
	s9 =	sshrl.u32 s5, $0x1;
	s18 =	sshrl.u32 s8, $0x2  }
0xb: {  	s12 =	sadd.s32 $0x80, s19;
	s14 =	sadd.s32 $0x100, s19;
	s21 =	sadd.s32 $0x180, s19  }
0xc: {  	s7 =	smul.u32 $0x500, s7;
	s4 =	sadd.s32 s6, s4;
	s9 =	ssub.s32 s5, s9  }
0xd: {  	s5 =	sadd.s32 s18, s2;
	s13 =	sshll.u32 s12, $0x7;
	s20 =	sshll.u32 s14, $0x7  }
0xe: {  	s17 =	sshll.u32 s12, $0x4;
	s18 =	sshll.u32 s14, $0x4;
	s25 =	sshll.u32 s21, $0x7  }
0xf: {  	s12 =	simm.s32 $0x2A00;
	s14 =	simm.s32 $0x80;
	s4 =	sadd.s32 $0xC600, s4  }
0x10: {  	s8 =	sadd.s32 $0x4000, s5;
	s10 =	sadd.s32 $0xC000, s5;
	s11 =	sadd.s32 $0x10000, s5  }
0x11: {  	s22 =	sadd.s32 s13, s2;
	s23 =	sadd.s32 s20, s2;
	s24 =	sadd.s32 s25, s2  }
0x12: {  	s13 =	simm.s32 $0x3;
	s0 =	sadd.s32 s0, s7;
	s7 =	smax.u32 s9, $0x1  }
0x13: {  	s9 =	sadd.s32 $0x8000, s5;
	s16 =	sadd.s32 s16, s4;
	s17 =	sadd.s32 s17, s4  }
0x14: {  	s18 =	sadd.s32 s18, s4;
	s22 =	sshrl.u32 s22, $0x3;
	s23 =	sshrl.u32 s23, $0x3  }
0x15: {  	s24 =	sshrl.u32 s24, $0x3;
	[dreg:$0x5] =	wrdreg s0;
	s0 =	sadd.s32 $0x200, s19  }
0x16: {  	s19 =	sshll.u32 s21, $0x4;
	s21 =	simm.s32 $0x2880;
	s26 =	sshll.u32 s0, $0x7  }
0x17: {  	s0 =	sshll.u32 s0, $0x4;
	s19 =	sadd.s32 s19, s4;
	s25 =	sadd.s32 s26, s2  }
0x18: {  	v0 =	vimm.f32 $0.0e+00;
	s20 =	sadd.s32 s0, s4;
	s26 =	simm.s32 $0x6A00;
	s25 =	sshrl.u32 s25, $0x3  }
.LBB2_1:
0x19: {  	s0 =	simm.s32 $0x0;
	s4 =	simm.s32 $0x200  }
.LBB2_2:
0x1a: {  	p0 =	sne.s32 s4, $0xFE00;
	[tilespmem:s0+$0x2A70] =	vst v0  }
0x1b: {  	[tilespmem:s0+$0x2A00] =	vst v0  }
0x1c: {  	[tilespmem:s0+$0x2A10] =	vst v0  }
.Ltmp0:
0x1d: {  	[tilespmem:s0+$0x2A20] =	vst v0;
	(pc) =	sbr.rel @p0 .LBB2_2-.Ltmp0, $4  }
0x1e: {  	[tilespmem:s0+$0x2A30] =	vst v0  }
0x1f: {  	[tilespmem:s0+$0x2A40] =	vst v0  }
0x20: {  	[tilespmem:s0+$0x2A50] =	vst v0  }
0x21: {  	[tilespmem:s0+$0x2A60] =	vst v0;
	s0 =	sshra.s32 s4, $0x2;
	s4 =	sadd.s32 $0x200, s4  }
0x22: {  	[tilespmem:s0+$0x2A70] =	vst v0  }
0x23: {  	[tilespmem:s0+$0x2A00] =	vst v0  }
0x24: {  	[tilespmem:s0+$0x2A10] =	vst v0  }
0x25: {  	[tilespmem:s0+$0x2A20] =	vst v0  }
0x26: {  	[tilespmem:s0+$0x2A30] =	vst v0  }
0x27: {  	[tilespmem:s0+$0x2A40] =	vst v0  }
0x28: {  	[tilespmem:s0+$0x2A50] =	vst v0  }
0x29: {  	[tilespmem:s0+$0x2A60] =	vst v0  }
0x2a: {  	[spmem:s5] =	stream.linear.scatter [tilespmem:s12], [sflag:$0x3], $0x4000, $0x38;
	[tilespmem:$0x1EA00] =	vst v63  }
0x2b: {  	_ =	swait.ge [sflag:s13], $0x4000  }
0x2c: {  	[sflag:s13] =	ssyncset.done $0x0  }
0x2d: {  	[sflag:s13] =	ssyncadd.s32 $0xFFFFC000  }
0x2e: {  	[spmem:s8] =	stream.linear.scatter [tilespmem:s12], [sflag:$0x3], $0x4000, $0x38;
	[tilespmem:$0x1EA00] =	vst v63  }
0x2f: {  	_ =	swait.ge [sflag:s13], $0x4000  }
0x30: {  	[sflag:s13] =	ssyncset.done $0x0  }
0x31: {  	[sflag:s13] =	ssyncadd.s32 $0xFFFFC000  }
0x32: {  	[spmem:s9] =	stream.linear.scatter [tilespmem:s12], [sflag:$0x3], $0x4000, $0x38;
	[tilespmem:$0x1EA00] =	vst v63  }
0x33: {  	_ =	swait.ge [sflag:s13], $0x4000  }
0x34: {  	[sflag:s13] =	ssyncset.done $0x0  }
0x35: {  	[sflag:s13] =	ssyncadd.s32 $0xFFFFC000  }
0x36: {  	[spmem:s10] =	stream.linear.scatter [tilespmem:s12], [sflag:$0x3], $0x4000, $0x38;
	[tilespmem:$0x1EA00] =	vst v63  }
0x37: {  	_ =	swait.ge [sflag:s13], $0x4000  }
0x38: {  	[sflag:s13] =	ssyncset.done $0x0  }
0x39: {  	[sflag:s13] =	ssyncadd.s32 $0xFFFFC000  }
0x3a: {  	[spmem:s11] =	stream.linear.scatter [tilespmem:s12], [sflag:$0x3], $0x4000, $0x38;
	[tilespmem:$0x1EA00] =	vst v63  }
0x3b: {  	_ =	swait.ge [sflag:s13], $0x4000  }
0x3c: {  	[sflag:s13] =	ssyncset.done $0x0  }
0x3d: {  	[sflag:s13] =	ssyncadd.s32 $0xFFFFC000  }
0x3e: {  	[bflag:$0x0] =	sbarrier.arrive $0xFFFF  }
0x3f: {  	s6 =	simm.s32 $0x0;
	s4 =	rddreg [dreg:$0x5]  }
0x40: {  	[tilespmem:s6], [sflag:$0x3] =	stream.linear.gather [hbm4b:s4+s6], $0x2800, $0x38;
	[tilespmem:$0x1EA00] =	vst v63  }
0x41: {  	_ =	swait.ge [sflag:s13], $0x2800  }
0x42: {  	[sflag:s13] =	ssyncset.done $0x0  }
0x43: {  	[sflag:s13] =	ssyncadd.s32 $0xFFFFD800  }
0x44: {  	v1 =	vld [tilespmem:$0x0];
	_ =	sdelay $0x1  }
0x45: {  	v2 =	vld [tilespmem:$0x10];
	_ =	sdelay $0x1  }
0x46: {  	v3 =	vld [tilespmem:$0x20]  }
0x47: {  	v4 =	vand.u32 $0xFFFF, v1  }
0x48: {  	v59 =	vld [tilespmem:$0x30];
	v1 =	vshrl.u32 v1, $0x10;
	[tilespmem:$0x2800] =	vst v4  }
0x49: {  	[tilespmem:$0x2900] =	vst v1;
	v1 =	vand.u32 $0xFFFF, v2  }
0x4a: {  	[tilespmem:$0x2810] =	vst v1;
	v1 =	vshrl.u32 v2, $0x10;
	v2 =	vld [tilespmem:$0x40]  }
0x4b: {  	[tilespmem:$0x2910] =	vst v1;
	v1 =	vand.u32 $0xFFFF, v3  }
0x4c: {  	[tilespmem:$0x2820] =	vst v1;
	v1 =	vshrl.u32 v3, $0x10;
	v3 =	vld [tilespmem:$0x50]  }
0x4d: {  	[tilespmem:$0x2920] =	vst v1;
	v1 =	vand.u32 $0xFFFF, v59  }
0x4e: {  	v60 =	vld [tilespmem:$0x60];
	[tilespmem:$0x2830] =	vst v1;
	v1 =	vshrl.u32 v59, $0x10  }
0x4f: {  	[tilespmem:$0x2930] =	vst v1;
	v1 =	vand.u32 $0xFFFF, v2  }
0x50: {  	[tilespmem:$0x2840] =	vst v1;
	v1 =	vshrl.u32 v2, $0x10;
	v2 =	vld [tilespmem:$0x70]  }
0x51: {  	[tilespmem:$0x2940] =	vst v1;
	v1 =	vand.u32 $0xFFFF, v3  }
0x52: {  	[tilespmem:$0x2850] =	vst v1;
	v1 =	vshrl.u32 v3, $0x10;
	v3 =	vld [tilespmem:$0x80]  }
0x53: {  	[tilespmem:$0x2950] =	vst v1;
	v1 =	vand.u32 $0xFFFF, v60  }
0x54: {  	v61 =	vld [tilespmem:$0x90];
	[tilespmem:$0x2860] =	vst v1;
	v1 =	vshrl.u32 v60, $0x10  }
0x55: {  	[tilespmem:$0x2960] =	vst v1;
	v1 =	vand.u32 $0xFFFF, v2  }
0x56: {  	[tilespmem:$0x2870] =	vst v1;
	v1 =	vshrl.u32 v2, $0x10;
	v2 =	vld [tilespmem:$0xA0]  }
0x57: {  	[tilespmem:$0x2970] =	vst v1;
	v1 =	vand.u32 $0xFFFF, v3  }
0x58: {  	[tilespmem:$0x2880] =	vst v1;
	v1 =	vshrl.u32 v3, $0x10;
	v3 =	vld [tilespmem:$0xB0]  }
0x59: {  	[tilespmem:$0x2980] =	vst v1;
	v1 =	vand.u32 $0xFFFF, v61  }
0x5a: {  	v62 =	vld [tilespmem:$0xC0];
	[tilespmem:$0x2890] =	vst v1;
	v1 =	vshrl.u32 v61, $0x10  }
0x5b: {  	[tilespmem:$0x2990] =	vst v1;
	v1 =	vand.u32 $0xFFFF, v2  }
0x5c: {  	[tilespmem:$0x28A0] =	vst v1;
	v1 =	vshrl.u32 v2, $0x10;
	v2 =	vld [tilespmem:$0xD0]  }
0x5d: {  	[tilespmem:$0x29A0] =	vst v1;
	v1 =	vand.u32 $0xFFFF, v3  }
0x5e: {  	[tilespmem:$0x28B0] =	vst v1;
	v1 =	vshrl.u32 v3, $0x10;
	v3 =	vld [tilespmem:$0xE0]  }
0x5f: {  	[tilespmem:$0x29B0] =	vst v1;
	v1 =	vand.u32 $0xFFFF, v62  }
0x60: {  	v63 =	vld [tilespmem:$0xF0];
	[tilespmem:$0x28C0] =	vst v1;
	v1 =	vshrl.u32 v62, $0x10  }
0x61: {  	[tilespmem:$0x29C0] =	vst v1;
	v1 =	vand.u32 $0xFFFF, v2  }
0x62: {  	[tilespmem:$0x28D0] =	vst v1;
	v1 =	vshrl.u32 v2, $0x10  }
0x63: {  	[tilespmem:$0x29D0] =	vst v1;
	v1 =	vand.u32 $0xFFFF, v3  }
0x64: {  	[tilespmem:$0x28E0] =	vst v1;
	v1 =	vshrl.u32 v3, $0x10  }
0x65: {  	[tilespmem:$0x29E0] =	vst v1;
	v1 =	vand.u32 $0xFFFF, v63  }
0x66: {  	[tilespmem:$0x28F0] =	vst v1;
	v1 =	vshrl.u32 v63, $0x10  }
0x67: {  	[tilespmem:$0x29F0] =	vst v1  }
0x68: {  	[tilespmem:s12], [sflag:$0x1] =	stream.indirect.gather [hbm4b:s1+s14], $0x80, s15, s14, $0xb8;
	[tilespmem:$0x1EA00] =	vst v63  }
0x69: {  	_ = 	snop  }
0x6a: {  	[tilespmem:s26], [sflag:$0x2] =	stream.indirect.gather [hbm4b:s1+s14], $0x80, s21, s14, $0xb8;
	[tilespmem:$0x1EA00] =	vst v63  }
0x6b: {  	_ =	swait.ge [sflag:s28], $0x4000  }
0x6c: {  	[sflag:s28] =	ssyncset.done $0x0  }
0x6d: {  	[sflag:s28] =	ssyncadd.s32 $0xFFFFC000  }
0x6e: {  	[spmem:s2] =	stream.indirect.scatter.add.f32 [tilespmem:s12], [sflag:$0x3], $0x80, s29, s14, $0xb8;
	[tilespmem:$0x1EA00] =	vst v63  }
0x6f: {  	_ =	swait.ge [sflag:s13], $0x4000  }
0x70: {  	s0 =	smin.u32 s6, $0x4C;
	[sflag:s13] =	ssyncset.done $0x0  }
0x71: {  	s0 =	sshll.u32 s0, $0x7;
	[sflag:s13] =	ssyncadd.s32 $0xFFFFC000  }
0x72: {  	v1 =	vld [tilespmem:s0+$0x100];
	_ =	sdelay $0x4  }
0x73: {  	v2 =	vand.u32 $0xFFFF, v1  }
0x74: {  	v1 =	vshrl.u32 v1, $0x10;
	[tilespmem:$0x2800] =	vst v2  }
0x75: {  	[tilespmem:$0x2900] =	vst v1  }
0x76: {  	v1 =	vld [tilespmem:s0+$0x110];
	_ =	sdelay $0x4  }
0x77: {  	v2 =	vand.u32 $0xFFFF, v1  }
0x78: {  	v1 =	vshrl.u32 v1, $0x10;
	[tilespmem:$0x2810] =	vst v2  }
0x79: {  	[tilespmem:$0x2910] =	vst v1  }
0x7a: {  	v1 =	vld [tilespmem:s0+$0x120];
	_ =	sdelay $0x4  }
0x7b: {  	v2 =	vand.u32 $0xFFFF, v1  }
0x7c: {  	v1 =	vshrl.u32 v1, $0x10;
	[tilespmem:$0x2820] =	vst v2  }
0x7d: {  	[tilespmem:$0x2920] =	vst v1  }
0x7e: {  	v1 =	vld [tilespmem:s0+$0x130];
	_ =	sdelay $0x4  }
0x7f: {  	v2 =	vand.u32 $0xFFFF, v1  }
0x80: {  	v1 =	vshrl.u32 v1, $0x10;
	[tilespmem:$0x2830] =	vst v2  }
0x81: {  	[tilespmem:$0x2930] =	vst v1  }
0x82: {  	v1 =	vld [tilespmem:s0+$0x140];
	_ =	sdelay $0x4  }
0x83: {  	v2 =	vand.u32 $0xFFFF, v1  }
0x84: {  	v1 =	vshrl.u32 v1, $0x10;
	[tilespmem:$0x2840] =	vst v2  }
0x85: {  	[tilespmem:$0x2940] =	vst v1  }
0x86: {  	v1 =	vld [tilespmem:s0+$0x150];
	_ =	sdelay $0x4  }
0x87: {  	v2 =	vand.u32 $0xFFFF, v1  }
0x88: {  	v1 =	vshrl.u32 v1, $0x10;
	[tilespmem:$0x2850] =	vst v2  }
0x89: {  	[tilespmem:$0x2950] =	vst v1  }
0x8a: {  	v1 =	vld [tilespmem:s0+$0x160];
	_ =	sdelay $0x4  }
0x8b: {  	v2 =	vand.u32 $0xFFFF, v1  }
0x8c: {  	v1 =	vshrl.u32 v1, $0x10;
	[tilespmem:$0x2860] =	vst v2  }
0x8d: {  	[tilespmem:$0x2960] =	vst v1  }
0x8e: {  	v1 =	vld [tilespmem:s0+$0x170];
	_ =	sdelay $0x4  }
0x8f: {  	v2 =	vand.u32 $0xFFFF, v1  }
0x90: {  	v1 =	vshrl.u32 v1, $0x10;
	[tilespmem:$0x2870] =	vst v2  }
0x91: {  	[tilespmem:$0x2970] =	vst v1  }
0x92: {  	[tilespmem:s12], [sflag:$0x1] =	stream.indirect.gather [hbm4b:s1+s14], $0x80, s15, s14, $0xb8;
	[tilespmem:$0x1EA00] =	vst v63  }
0x93: {  	_ =	swait.ge [sflag:s30], $0x4000  }
0x94: {  	[sflag:s30] =	ssyncset.done $0x0  }
0x95: {  	[sflag:s30] =	ssyncadd.s32 $0xFFFFC000  }
0x96: {  	[spmem:s2] =	stream.indirect.scatter.add.f32 [tilespmem:s26], [sflag:$0x3], $0x80, s31, s14, $0xb8;
	[tilespmem:$0x1EA00] =	vst v63  }
0x97: {  	_ =	swait.ge [sflag:s13], $0x4000  }
0x98: {  	[sflag:s13] =	ssyncset.done $0x0  }
0x99: {  	[sflag:s13] =	ssyncadd.s32 $0xFFFFC000  }
0x9a: {  	v1 =	vld [tilespmem:s0+$0x180];
	_ =	sdelay $0x4  }
0x9b: {  	v2 =	vand.u32 $0xFFFF, v1  }
0x9c: {  	v1 =	vshrl.u32 v1, $0x10;
	[tilespmem:$0x2880] =	vst v2  }
0x9d: {  	[tilespmem:$0x2980] =	vst v1  }
0x9e: {  	v1 =	vld [tilespmem:s0+$0x190];
	_ =	sdelay $0x4  }
0x9f: {  	v2 =	vand.u32 $0xFFFF, v1  }
0xa0: {  	v1 =	vshrl.u32 v1, $0x10;
	[tilespmem:$0x2890] =	vst v2  }
0xa1: {  	[tilespmem:$0x2990] =	vst v1  }
0xa2: {  	v1 =	vld [tilespmem:s0+$0x1A0];
	_ =	sdelay $0x4  }
0xa3: {  	v2 =	vand.u32 $0xFFFF, v1  }
0xa4: {  	v1 =	vshrl.u32 v1, $0x10;
	[tilespmem:$0x28A0] =	vst v2  }
0xa5: {  	[tilespmem:$0x29A0] =	vst v1  }
0xa6: {  	v1 =	vld [tilespmem:s0+$0x1B0];
	_ =	sdelay $0x4  }
0xa7: {  	v2 =	vand.u32 $0xFFFF, v1  }
0xa8: {  	v1 =	vshrl.u32 v1, $0x10;
	[tilespmem:$0x28B0] =	vst v2  }
0xa9: {  	[tilespmem:$0x29B0] =	vst v1  }
0xaa: {  	v1 =	vld [tilespmem:s0+$0x1C0];
	_ =	sdelay $0x4  }
0xab: {  	v2 =	vand.u32 $0xFFFF, v1  }
0xac: {  	v1 =	vshrl.u32 v1, $0x10;
	[tilespmem:$0x28C0] =	vst v2  }
0xad: {  	[tilespmem:$0x29C0] =	vst v1  }
0xae: {  	v1 =	vld [tilespmem:s0+$0x1D0];
	_ =	sdelay $0x4  }
0xaf: {  	v2 =	vand.u32 $0xFFFF, v1  }
0xb0: {  	v1 =	vshrl.u32 v1, $0x10;
	[tilespmem:$0x28D0] =	vst v2  }
0xb1: {  	s4 =	simm.s32 $0x2;
	[tilespmem:$0x29D0] =	vst v1  }
.LBB2_4:
0xb2: {  	p0 =	sne.s32 s4, $0x4E;
	v1 =	vld [tilespmem:s0+$0x1E0];
	s6 =	smov.u32 s4;
	s4 =	sadd.s32 $0x2, s4  }
0xb3: {  	_ =	sdelay $0x3  }
0xb4: {  	v2 =	vand.u32 $0xFFFF, v1;
	v1 =	vshrl.u32 v1, $0x10  }
0xb5: {  	[tilespmem:$0x28E0] =	vst v2  }
0xb6: {  	[tilespmem:$0x29E0] =	vst v1  }
0xb7: {  	v1 =	vld [tilespmem:s0+$0x1F0];
	_ =	sdelay $0x4  }
0xb8: {  	v2 =	vand.u32 $0xFFFF, v1;
	v1 =	vshrl.u32 v1, $0x10  }
0xb9: {  	[tilespmem:$0x28F0] =	vst v2  }
0xba: {  	[tilespmem:$0x29F0] =	vst v1  }
0xbb: {  	[tilespmem:s26], [sflag:$0x2] =	stream.indirect.gather [hbm4b:s1+s14], $0x80, s21, s14, $0xb8;
	[tilespmem:$0x1EA00] =	vst v63  }
0xbc: {  	_ =	swait.ge [sflag:s28], $0x4000  }
0xbd: {  	[sflag:s28] =	ssyncset.done $0x0  }
0xbe: {  	[sflag:s28] =	ssyncadd.s32 $0xFFFFC000  }
0xbf: {  	[spmem:s2] =	stream.indirect.scatter.add.f32 [tilespmem:s12], [sflag:$0x3], $0x80, s29, s14, $0xb8;
	[tilespmem:$0x1EA00] =	vst v63  }
0xc0: {  	_ =	swait.ge [sflag:s13], $0x4000  }
0xc1: {  	s0 =	smin.u32 s6, $0x4C;
	[sflag:s13] =	ssyncset.done $0x0  }
0xc2: {  	s0 =	sshll.u32 s0, $0x7;
	[sflag:s13] =	ssyncadd.s32 $0xFFFFC000  }
0xc3: {  	v1 =	vld [tilespmem:s0+$0x100];
	_ =	sdelay $0x4  }
0xc4: {  	v2 =	vand.u32 $0xFFFF, v1;
	v1 =	vshrl.u32 v1, $0x10  }
0xc5: {  	[tilespmem:$0x2800] =	vst v2  }
0xc6: {  	[tilespmem:$0x2900] =	vst v1  }
0xc7: {  	v1 =	vld [tilespmem:s0+$0x110];
	_ =	sdelay $0x4  }
0xc8: {  	v2 =	vand.u32 $0xFFFF, v1;
	v1 =	vshrl.u32 v1, $0x10  }
0xc9: {  	[tilespmem:$0x2810] =	vst v2  }
0xca: {  	[tilespmem:$0x2910] =	vst v1  }
0xcb: {  	v1 =	vld [tilespmem:s0+$0x120];
	_ =	sdelay $0x4  }
0xcc: {  	v2 =	vand.u32 $0xFFFF, v1;
	v1 =	vshrl.u32 v1, $0x10  }
0xcd: {  	[tilespmem:$0x2820] =	vst v2  }
0xce: {  	[tilespmem:$0x2920] =	vst v1  }
0xcf: {  	v1 =	vld [tilespmem:s0+$0x130];
	_ =	sdelay $0x4  }
0xd0: {  	v2 =	vand.u32 $0xFFFF, v1;
	v1 =	vshrl.u32 v1, $0x10  }
0xd1: {  	[tilespmem:$0x2830] =	vst v2  }
0xd2: {  	[tilespmem:$0x2930] =	vst v1  }
0xd3: {  	v1 =	vld [tilespmem:s0+$0x140];
	_ =	sdelay $0x4  }
0xd4: {  	v2 =	vand.u32 $0xFFFF, v1;
	v1 =	vshrl.u32 v1, $0x10  }
0xd5: {  	[tilespmem:$0x2840] =	vst v2  }
0xd6: {  	[tilespmem:$0x2940] =	vst v1  }
0xd7: {  	v1 =	vld [tilespmem:s0+$0x150];
	_ =	sdelay $0x4  }
0xd8: {  	v2 =	vand.u32 $0xFFFF, v1;
	v1 =	vshrl.u32 v1, $0x10  }
0xd9: {  	[tilespmem:$0x2850] =	vst v2  }
0xda: {  	[tilespmem:$0x2950] =	vst v1  }
0xdb: {  	v1 =	vld [tilespmem:s0+$0x160];
	_ =	sdelay $0x4  }
0xdc: {  	v2 =	vand.u32 $0xFFFF, v1;
	v1 =	vshrl.u32 v1, $0x10  }
0xdd: {  	[tilespmem:$0x2860] =	vst v2  }
0xde: {  	[tilespmem:$0x2960] =	vst v1  }
0xdf: {  	v1 =	vld [tilespmem:s0+$0x170];
	_ =	sdelay $0x4  }
0xe0: {  	v2 =	vand.u32 $0xFFFF, v1;
	v1 =	vshrl.u32 v1, $0x10  }
0xe1: {  	[tilespmem:$0x2870] =	vst v2  }
0xe2: {  	[tilespmem:$0x2970] =	vst v1  }
0xe3: {  	[tilespmem:s12], [sflag:$0x1] =	stream.indirect.gather [hbm4b:s1+s14], $0x80, s15, s14, $0xb8;
	[tilespmem:$0x1EA00] =	vst v63  }
0xe4: {  	_ =	swait.ge [sflag:s30], $0x4000  }
0xe5: {  	[sflag:s30] =	ssyncset.done $0x0  }
0xe6: {  	[sflag:s30] =	ssyncadd.s32 $0xFFFFC000  }
0xe7: {  	[spmem:s2] =	stream.indirect.scatter.add.f32 [tilespmem:s26], [sflag:$0x3], $0x80, s31, s14, $0xb8;
	[tilespmem:$0x1EA00] =	vst v63  }
0xe8: {  	_ =	swait.ge [sflag:s13], $0x4000  }
0xe9: {  	[sflag:s13] =	ssyncset.done $0x0  }
0xea: {  	[sflag:s13] =	ssyncadd.s32 $0xFFFFC000  }
0xeb: {  	v1 =	vld [tilespmem:s0+$0x180];
	_ =	sdelay $0x4  }
0xec: {  	v2 =	vand.u32 $0xFFFF, v1;
	v1 =	vshrl.u32 v1, $0x10  }
0xed: {  	[tilespmem:$0x2880] =	vst v2  }
0xee: {  	[tilespmem:$0x2980] =	vst v1  }
0xef: {  	v1 =	vld [tilespmem:s0+$0x190];
	_ =	sdelay $0x4  }
0xf0: {  	v2 =	vand.u32 $0xFFFF, v1;
	v1 =	vshrl.u32 v1, $0x10  }
0xf1: {  	[tilespmem:$0x2890] =	vst v2  }
0xf2: {  	[tilespmem:$0x2990] =	vst v1  }
0xf3: {  	v1 =	vld [tilespmem:s0+$0x1A0];
	_ =	sdelay $0x4  }
0xf4: {  	v2 =	vand.u32 $0xFFFF, v1;
	v1 =	vshrl.u32 v1, $0x10  }
0xf5: {  	[tilespmem:$0x28A0] =	vst v2  }
0xf6: {  	[tilespmem:$0x29A0] =	vst v1  }
0xf7: {  	v1 =	vld [tilespmem:s0+$0x1B0];
	_ =	sdelay $0x4  }
0xf8: {  	v2 =	vand.u32 $0xFFFF, v1;
	v1 =	vshrl.u32 v1, $0x10  }
0xf9: {  	[tilespmem:$0x28B0] =	vst v2  }
0xfa: {  	[tilespmem:$0x29B0] =	vst v1  }
0xfb: {  	v1 =	vld [tilespmem:s0+$0x1C0];
	_ =	sdelay $0x4  }
0xfc: {  	v2 =	vand.u32 $0xFFFF, v1;
	v1 =	vshrl.u32 v1, $0x10  }
0xfd: {  	[tilespmem:$0x28C0] =	vst v2  }
0xfe: {  	[tilespmem:$0x29C0] =	vst v1  }
0xff: {  	v1 =	vld [tilespmem:s0+$0x1D0];
	_ =	sdelay $0x2  }
.Ltmp1:
0x100: {  	(pc) =	sbr.rel @p0 .LBB2_4-.Ltmp1, $4  }
0x101: {  	_ = 	snop  }
0x102: {  	v2 =	vand.u32 $0xFFFF, v1;
	v1 =	vshrl.u32 v1, $0x10  }
0x103: {  	[tilespmem:$0x28D0] =	vst v2  }
0x104: {  	[tilespmem:$0x29D0] =	vst v1  }
0x105: {  	v1 =	vld [tilespmem:s0+$0x1E0];
	_ =	sdelay $0x4  }
0x106: {  	v2 =	vand.u32 $0xFFFF, v1  }
0x107: {  	v1 =	vshrl.u32 v1, $0x10;
	[tilespmem:$0x28E0] =	vst v2  }
0x108: {  	[tilespmem:$0x29E0] =	vst v1  }
0x109: {  	v1 =	vld [tilespmem:s0+$0x1F0];
	_ =	sdelay $0x4  }
0x10a: {  	v2 =	vand.u32 $0xFFFF, v1  }
0x10b: {  	v1 =	vshrl.u32 v1, $0x10;
	[tilespmem:$0x28F0] =	vst v2  }
0x10c: {  	[tilespmem:$0x29F0] =	vst v1  }
0x10d: {  	[tilespmem:s26], [sflag:$0x2] =	stream.indirect.gather [hbm4b:s1+s14], $0x80, s21, s14, $0xb8;
	[tilespmem:$0x1EA00] =	vst v63  }
0x10e: {  	_ =	swait.ge [sflag:s28], $0x4000  }
0x10f: {  	[sflag:s28] =	ssyncset.done $0x0  }
0x110: {  	[sflag:s28] =	ssyncadd.s32 $0xFFFFC000  }
0x111: {  	_ =	swait.ge [sflag:s30], $0x4000  }
0x112: {  	s6 =	stileid.u32;
	[sflag:s30] =	ssyncset.done $0x0  }
0x113: {  	s0 =	sshll.u32 s6, $0x6;
	[sflag:s30] =	ssyncadd.s32 $0xFFFFC000  }
0x114: {  	s4 =	sshrl.u32 s5, $0x3;
	s0 =	sor.u32 $0x1C03, s0;
	[bflag:$0x0] =	sbarrier.arrive $0xFFFF  }
0x115: {  	[hbm:s16], [sflag:s0] =	dma.local [spmem:s4], $0x800  }
0x116: {  	_ =	swait.ge [sflag:s13], $0x800  }
0x117: {  	[sflag:s13] =	ssyncset.done $0x0  }
0x118: {  	[sflag:s13] =	ssyncadd.s32 $0xFFFFF800  }
0x119: {  	[hbm:s17], [sflag:s0] =	dma.local [spmem:s22], $0x800  }
0x11a: {  	_ =	swait.ge [sflag:s13], $0x800  }
0x11b: {  	[sflag:s13] =	ssyncset.done $0x0  }
0x11c: {  	[sflag:s13] =	ssyncadd.s32 $0xFFFFF800  }
0x11d: {  	[hbm:s18], [sflag:s0] =	dma.local [spmem:s23], $0x800  }
0x11e: {  	_ =	swait.ge [sflag:s13], $0x800  }
0x11f: {  	[sflag:s13] =	ssyncset.done $0x0  }
0x120: {  	[sflag:s13] =	ssyncadd.s32 $0xFFFFF800  }
0x121: {  	[hbm:s19], [sflag:s0] =	dma.local [spmem:s24], $0x800  }
0x122: {  	s3 =	sadd.s32 $0x1, s3;
	_ =	swait.ge [sflag:s13], $0x800  }
0x123: {  	p0 =	sne.s32 s3, s7;
	[sflag:s13] =	ssyncset.done $0x0  }
.Ltmp2:
0x124: {  	[sflag:s13] =	ssyncadd.s32 $0xFFFFF800;
	(pc) =	sbr.rel @p0 .LBB2_1-.Ltmp2, $4  }
0x125: {  	[hbm:s20], [sflag:s0] =	dma.local [spmem:s25], $0x800  }
0x126: {  	_ =	swait.ge [sflag:s13], $0x800  }
0x127: {  	[sflag:s13] =	ssyncset.done $0x0  }
0x128: {  	[sflag:s13] =	ssyncadd.s32 $0xFFFFF800  }
0x129: {  	_ =	sfence.sel $0x180000  }
0x12a: {  	[bflag:$0x0] =	sbarrier.arrive $0xFFFF  }
0x12b: {  	_ =	strace $0x90000047  }
0x12c: {  	s0 =	stileid.u32;
	[bflag:$0x2] =	sbarrier.arrive $0xFFFF  }
0x12d: {  	p0 =	sne.s32 s0, $0x0;
	s0 =	rddreg [dreg:$0x4]  }
0x12e: {  	s0 =	sadd.s32 @!p0 $0x100000, s0  }
0x12f: {  	[sflag:s0] =	ssyncadd.tile.s32 @!p0 $0x1;
	_ =	shalt  }
.Lfunc_end2:
_tile_overlayer_lowered:
.L_overlay_start_2:
0x130: {  	(tag) =	ssettag $0x2  }
0x131: {  	s0 =	rddreg [dreg:$0x0];
	s2 =	stileid.u32  }
0x132: {  	s1 =	rddreg [dreg:$0x1];
	p0 =	sne.s32 s2, $0x0  }
0x133: {  	s3 =	rddreg [dreg:$0x2];
	[bflag:$0x3] =	sbarrier.arrive $0xFFFF;
	s2 =	simm.s32 @!p0 $0x1C03  }
0x134: {  	[timem:s3], [sflag:s2] =	dma.local @!p0 [hbm:s0], s1  }
0x135: {  	s0 =	simm.s32 @!p0 $0x3  }
0x136: {  	_ =	swait.ge @!p0 [sflag:s0], s1  }
0x137: {  	s1 =	ssub.s32 @!p0 $0x0, s1;
	[sflag:s0] =	ssyncset.done @!p0 $0x0  }
0x138: {  	[sflag:s0] =	ssyncadd.s32 @!p0 s1  }
0x139: {  	[bflag:$0x3] =	sbarrier.arrive $0xFFFF  }
0x13a: {  	_ =	shalt  }

// kernel: kernel.13.cloned.1.call-start
scs
__scs_entry_jumppad:
0x0: {  	(pc) =	sbr.rel $0x88, $3  }
0x1: {  	(tag) =	ssettag $0x0;
	lr =	simm.s32 $0x1  }
0x2: {  	[smem:$0x3F99] =	sst lr;
	_ =	strace $0xD0000000  }
0x3: {  	_ = 	snop  }
0x4: {  	_ = 	snop  }
0x5: {  	_ = 	snop  }
0x6: {  	_ = 	snop  }
0x7: {  	_ = 	snop  }
__scs_overlays_trampoline_lowered:
0x8: {  	[smem:$0x3FA8] =	sst s0  }
0x9: {  	[smem:$0x3FA9] =	sst s1  }
0xa: {  	[smem:$0x3FAA] =	sst s2  }
0xb: {  	[smem:$0x3FAB] =	sst s3  }
0xc: {  	[smem:$0x3FAC] =	sst s4  }
0xd: {  	[smem:$0x3FAD] =	sst s5  }
0xe: {  	[smem:$0x3FAE] =	sst s6  }
0xf: {  	[smem:$0x3FAF] =	sst s7  }
0x10: {  	[smem:$0x3FB0] =	sst s8  }
0x11: {  	[smem:$0x3FB1] =	sst s9;
	s0 =	simm.s32 @!p0 $0x0  }
0x12: {  	s1 =	sld [smem:$0x3F97];
	s0 =	simm.s32 @p0 $0x1  }
0x13: {  	[smem:$0x3FB2] =	sst s0;
	s0 =	simm.s32 @!p1 $0x0  }
0x14: {  	s2 =	sld [smem:$0x3F96];
	s0 =	simm.s32 @p1 $0x1  }
0x15: {  	[smem:$0x3FB3] =	sst s0;
	s0 =	simm.s32 @!p2 $0x0  }
0x16: {  	s3 =	sld [smem:$0x3FDB];
	s0 =	simm.s32 @p2 $0x1  }
0x17: {  	s4 =	simm.s32 $0x1BF5;
	[smem:$0x3FB5] =	sst s0  }
0x18: {  	s0 =	sld [smem:$0x3F98];
	_ =	swait.ge [sflag:s4], $0x0  }
0x19: {  	s7 =	sld [smem:$0x3F99]  }
0x1a: {  	s8 =	sadd.s32 $0xFFFFE003, lr  }
0x1b: {  	s9 =	sadd.s32 $0xFFFFFEF7, lr;
	s5 =	simm.s32 $0xFFFFFFFF;
	p2 =	slt.u32 s8, $0xFFFFF086  }
0x1c: {  	p1 =	slt.u32 s9, $0xF7A;
	s5 =	simm.s32 @!p2 $0x0  }
0x1d: {  	s5 =	simm.s32 @p1 $0x1;
	p0 =	seq.s32 s7, s2  }
0x1e: {  	s7 =	smul.u32 @!p0 $0xF7A, s2;
	p2 =	seq.s32 @!p0 s5, $0x0  }
0x1f: {  	s9 =	smul.u32 $0xF7A, s1;
	s8 =	simm.s32 @!p0 $0x1BF5;
	p2 =	por !p2, p0  }
0x20: {  	[sflag:s8] =	ssyncset.s32 @!p0 $0xFFFFF086;
	s6 =	sadd.s32 @!p0 s3, s7;
	s7 =	simm.s32 @!p0 $0x108  }
0x21: {  	s3 =	sadd.s32 s3, s9;
	s6 =	sadd.s32 @!p0 $0x88, s6;
	s7 =	simm.s32 @p2 $0x1082  }
0x22: {  	[simem:s7], [sflag:s8] =	dma.local @!p0 [hbm:s6], $0xF7A  }
0x23: {  	s9 =	sor.u32 $0xD0000000, s2;
	s6 =	simm.s32 $0x108;
	_ =	swait.ge @!p0 [sflag:s8], $0x0  }
0x24: {  	s3 =	sadd.s32 $0x88, s3;
	s6 =	simm.s32 @!p1 $0x1082;
	[sflag:s4] =	ssyncset.s32 $0xFFFFF086  }
0x25: {  	[simem:s6], [sflag:s4] =	dma.local [hbm:s3], $0xF7A  }
0x26: {  	[smem:$0x3F99] =	sst s1;
	(tag) =	ssettag s2;
	_ =	strace s9  }
0x27: {  	s1 =	sld [smem:$0x3FA9]  }
0x28: {  	s2 =	sld [smem:$0x3FAA]  }
0x29: {  	s4 =	sld [smem:$0x3FAC]  }
0x2a: {  	p0 =	seq.s32 s5, $0x0;
	s5 =	sld [smem:$0x3FAD]  }
0x2b: {  	s6 =	sld [smem:$0x3FAE]  }
0x2c: {  	s7 =	sld [smem:$0x3FAF]  }
0x2d: {  	s3 =	simm.s32 $0x108;
	s8 =	sld [smem:$0x3FB0]  }
0x2e: {  	s3 =	simm.s32 @!p0 $0x1082;
	s9 =	sld [smem:$0x3FB1]  }
0x2f: {  	lr =	sadd.s32 s0, s3;
	s0 =	sld [smem:$0x3FA8]  }
0x30: {  	s3 =	sld [smem:$0x3FAB]  }
0x31: {  	[smem:$0x3FB4] =	sst s10  }
0x32: {  	s10 =	sld [smem:$0x3FB2];
	_ =	sdelay $0x3  }
0x33: {  	p0 =	seq.s32 s10, $0x1;
	s10 =	sld [smem:$0x3FB4];
	_ =	sdelay $0x3  }
0x34: {  	[smem:$0x3FB4] =	sst s10  }
0x35: {  	s10 =	sld [smem:$0x3FB3];
	_ =	sdelay $0x3  }
0x36: {  	p1 =	seq.s32 s10, $0x1;
	s10 =	sld [smem:$0x3FB4];
	_ =	sdelay $0x3  }
0x37: {  	[smem:$0x3FB4] =	sst s10  }
0x38: {  	s10 =	sld [smem:$0x3FB5]  }
0x39: {  	_ = 	snop;
	(pc) =	sbr.ind lr, $3  }
0x3a: {  	_ = 	snop  }
0x3b: {  	_ = 	snop  }
0x3c: {  	p2 =	seq.s32 s10, $0x1;
	s10 =	sld [smem:$0x3FB4]  }
0x3d: {  	_ =	shalt  }
0x3e: {  	_ =	shalt  }
0x3f: {  	_ =	shalt  }
0x40: {  	_ =	shalt  }
0x41: {  	_ =	shalt  }
0x42: {  	_ =	shalt  }
0x43: {  	_ =	shalt  }
0x44: {  	_ =	shalt  }
0x45: {  	_ =	shalt  }
0x46: {  	_ =	shalt  }
0x47: {  	_ =	shalt  }
0x48: {  	_ =	shalt  }
0x49: {  	_ =	shalt  }
0x4a: {  	_ =	shalt  }
0x4b: {  	_ =	shalt  }
0x4c: {  	_ =	shalt  }
0x4d: {  	_ =	shalt  }
0x4e: {  	_ =	shalt  }
0x4f: {  	_ =	shalt  }
0x50: {  	_ =	shalt  }
0x51: {  	_ =	shalt  }
0x52: {  	_ =	shalt  }
0x53: {  	_ =	shalt  }
0x54: {  	_ =	shalt  }
0x55: {  	_ =	shalt  }
0x56: {  	_ =	shalt  }
0x57: {  	_ =	shalt  }
0x58: {  	_ =	shalt  }
0x59: {  	_ =	shalt  }
0x5a: {  	_ =	shalt  }
0x5b: {  	_ =	shalt  }
0x5c: {  	_ =	shalt  }
0x5d: {  	_ =	shalt  }
0x5e: {  	_ =	shalt  }
0x5f: {  	_ =	shalt  }
0x60: {  	_ =	shalt  }
0x61: {  	_ =	shalt  }
0x62: {  	_ =	shalt  }
0x63: {  	_ =	shalt  }
0x64: {  	_ =	shalt  }
0x65: {  	_ =	shalt  }
0x66: {  	_ =	shalt  }
0x67: {  	_ =	shalt  }
0x68: {  	_ =	shalt  }
0x69: {  	_ =	shalt  }
0x6a: {  	_ =	shalt  }
0x6b: {  	_ =	shalt  }
0x6c: {  	_ =	shalt  }
0x6d: {  	_ =	shalt  }
0x6e: {  	_ =	shalt  }
0x6f: {  	_ =	shalt  }
0x70: {  	_ =	shalt  }
0x71: {  	_ =	shalt  }
0x72: {  	_ =	shalt  }
0x73: {  	_ =	shalt  }
0x74: {  	_ =	shalt  }
0x75: {  	_ =	shalt  }
0x76: {  	_ =	shalt  }
0x77: {  	_ =	shalt  }
0x78: {  	_ =	shalt  }
0x79: {  	_ =	shalt  }
0x7a: {  	_ =	shalt  }
0x7b: {  	_ =	shalt  }
0x7c: {  	_ =	shalt  }
0x7d: {  	_ =	shalt  }
0x7e: {  	_ =	shalt  }
0x7f: {  	_ =	shalt  }
0x80: {  	_ =	shalt  }
0x81: {  	_ =	shalt  }
0x82: {  	_ =	shalt  }
0x83: {  	_ =	shalt  }
0x84: {  	_ =	shalt  }
0x85: {  	_ =	shalt  }
0x86: {  	_ =	shalt  }
0x87: {  	_ =	shalt  }
.Lfunc_end0:
.L_simem_size_0:
called_computation.2_lowered:
.L_overlay_start_0:
0x88: {  	s2 =	sld [smem:$0x3FD9]  }
0x89: {  	s3 =	sld [smem:$0x3FFE];
	_ =	sdelay $0x1  }
0x8a: {  	s1 =	srdreg.scid  }
0x8b: {  	s0 =	sand.u32 $0x1, s1  }
0x8c: {  	s17 =	sshll.u32 s0, $0xA;
	s2 =	sadd.s32 s3, s2  }
0x8d: {  	s2 =	sadd.s32 s2, s17  }
0x8e: {  	[smem:$0x3FC0] =	sst s2  }
0x8f: {  	_ = 	snop  }
0x90: {  	s2 =	sld [smem:$0x3FD0];
	(tm) =	ssettm $0x1  }
0x91: {  	s18 =	sld [smem:$0x3FFB];
	_ =	sdelay $0x3  }
0x92: {  	_ =	strace s18  }
0x93: {  	s3 =	sld [smem:$0x3FFC];
	_ =	sdelay $0x3  }
0x94: {  	_ =	strace s3  }
0x95: {  	s3 =	sld [smem:$0x3FFD];
	_ =	sdelay $0x3  }
0x96: {  	_ =	strace s3  }
0x97: {  	_ =	strace $0x8FFFFFFF  }
0x98: {  	s19 =	sld [smem:$0x3FDB];
	_ =	sdelay $0x1  }
0x99: {  	s4 =	simm.s32 $_scs_section_size  }
0x9a: {  	s5 =	simm.s32 $_size__tile_overlayer_lowered;
	s6 =	simm.s32 $_tile_overlayer_lowered  }
0x9b: {  	s22 =	simm.s32 $0x1BFF;
	s21 =	sshll.u32 s6, $0x1;
	s3 =	sadd.s32 s4, s19  }
0x9c: {  	s7 =	simm.s32 $0x0;
	s20 =	sshll.u32 s5, $0x1;
	s5 =	sadd.s32 s21, s3  }
0x9d: {  	[timem:s7], [sflag:s22] =	dma.local [hbm:s5], s20  }
0x9e: {  	_ =	swait.ge [sflag:s22], s20  }
0x9f: {  	s4 =	ssub.s32 $0x0, s20;
	[sflag:s22] =	ssyncset.done $0x0  }
0xa0: {  	[sflag:s22] =	ssyncadd.s32 s4;
	_ =	sdelay $0x1  }
0xa1: {  	s23 =	simm.s32 $0x1B8B  }
0xa2: {  	_ =	swait.ge [sflag:s23], $0x1  }
0xa3: {  	[sflag:s23] =	ssyncset.done $0x0  }
0xa4: {  	s25 =	simm.s32 $0x1B8E;
	s24 =	sld [smem:$0x3FFE];
	[sflag:s23] =	ssyncadd.s32 $0xFFFFFFFF  }
0xa5: {  	s26 =	simm.s32 $execute0_lowered;
	[smem:$0x3FD2] =	sst s25  }
0xa6: {  	s5 =	sshll.u32 s26, $0x1;
	_ =	strace $0x8000004C;
	[dreg:$0x1] =	wrdreg $0xFFFFFFFF  }
0xa7: {  	s28 =	simm.s32 $_size_execute0_lowered;
	s3 =	sadd.s32 s3, s5;
	[dreg:$0x0] =	wrdreg $0x0  }
0xa8: {  	s5 =	sshll.u32 s28, $0x1;
	[dreg:$0x2] =	wrdreg s3  }
0xa9: {  	[dreg:$0x3] =	wrdreg s5  }
0xaa: {  	[dreg:$0x4] =	wrdreg $0xC0  }
0xab: {  	_ =	task [dreg:s7], $0x5FFFF  }
0xac: {  	[dreg:$0x1] =	wrdreg $0xFFFFFFFF  }
0xad: {  	[dreg:$0x0] =	wrdreg $0x60  }
0xae: {  	[dreg:$0x2] =	wrdreg s2  }
0xaf: {  	[dreg:$0x3] =	wrdreg s24  }
0xb0: {  	[dreg:$0x4] =	wrdreg $0xAA000  }
0xb1: {  	[dreg:$0x5] =	wrdreg $0x9  }
0xb2: {  	_ =	task.clear_ibuf [dreg:s7], $0x6FFFF;
	_ =	strace $0x9000004C  }
0xb3: {  	s29 =	simm.s32 $0x9;
	_ =	strace $0x8000004E  }
0xb4: {  	_ =	swait.ge [sflag:s29], $0x1  }
0xb5: {  	[sflag:s29] =	ssyncadd.s32 $0xFFFFFFFF  }
0xb6: {  	_ =	strace $0x9000004E  }
0xb7: {  	_ =	sfence  }
0xb8: {  	s30 =	sld [smem:$0x0];
	_ =	sdelay $0x2  }
0xb9: {  	s31 =	sshll.u32 s1, $0xD;
	s1 =	sshrl.u32 s1, $0x2  }
0xba: {  	s3 =	sand.u32 $0x4000, s31;
	s1 =	sadd.s32 s1, s30  }
0xbb: {  	s0 =	sor.u32 s3, s0;
	s1 =	sshll.u32 s1, $0x11  }
0xbc: {  	s0 =	sor.u32 s1, s0  }
0xbd: {  	s0 =	sadd.s32 $0x8F2B, s0  }
0xbe: {  	[sflag:s0] =	ssyncadd.remote.s32 $0x1  }
0xbf: {  	_ =	sfence.sel $0xFFFF  }
0xc0: {  	[dreg:$0x0] =	wrdreg $0xFFFFFFFF;
	(pc) =	sbr.abs _section_cstart, $3  }
0xc1: {  	[dreg:$0x1] =	wrdreg $0xFFFFFFFF  }
0xc2: {  	_ =	task.clear_ibuf [dreg:s7], $0x2FFFF;
	_ =	strace $0x9FFFFFFF  }
0xc3: {  	(tm) =	ssettm $0x7FFFFFFF  }
tec
execute0_lowered:
.L_overlay_start_1:
0x0: {  	(tag) =	ssettag $0x1  }
0x1: {  	s0 =	rddreg [dreg:$0x0]  }
0x2: {  	s3 =	rddreg [dreg:$0x1]  }
0x3: {  	s1 =	rddreg [dreg:$0x2]  }
0x4: {  	s2 =	simm.s32 $0x0;
	s4 =	srdreg.scid;
	s10 =	stileid.u32  }
0x5: {  	s15 =	simm.s32 $0x2800;
	s28 =	simm.s32 $0x1;
	s8 =	smul.u32 $0x50000, s10  }
0x6: {  	s29 =	simm.s32 $0x2900;
	s30 =	simm.s32 $0x2;
	s19 =	smul.u32 $0x280, s10  }
0x7: {  	[smem:$0x7FF] =	sst s2;
	s4 =	sand.u32 $0x1, s4;
	s16 =	smul.u32 $0x2800, s10  }
0x8: {  	s31 =	simm.s32 $0x2980;
	_ =	strace $0x8000004D;
	s5 =	smul.u32 $0x28000, s4  }
0x9: {  	s6 =	sshll.u32 s4, $0x4;
	s7 =	ssub.s32 $0x2, s4;
	s4 =	sadd.s32 $0x7A600, s3  }
0xa: {  	s6 =	sor.u32 s10, s6;
	s9 =	sshrl.u32 s7, $0x1;
	s18 =	sshrl.u32 s8, $0x2  }
0xb: {  	s12 =	sadd.s32 $0x80, s19;
	s14 =	sadd.s32 $0x100, s19;
	s21 =	sadd.s32 $0x180, s19  }
0xc: {  	s6 =	smul.u32 $0x500, s6;
	s3 =	sadd.s32 s5, s3;
	s7 =	ssub.s32 s7, s9  }
0xd: {  	s5 =	sadd.s32 s18, s1;
	s13 =	sshll.u32 s12, $0x7;
	s20 =	sshll.u32 s14, $0x7  }
0xe: {  	s17 =	sshll.u32 s12, $0x4;
	s18 =	sshll.u32 s14, $0x4;
	s25 =	sshll.u32 s21, $0x7  }
0xf: {  	s12 =	simm.s32 $0x2A00;
	s14 =	simm.s32 $0x80;
	s3 =	sadd.s32 $0xA2600, s3  }
0x10: {  	s7 =	smax.u32 s7, $0x1;
	s8 =	sadd.s32 $0x4000, s5;
	s9 =	sadd.s32 $0x8000, s5  }
0x11: {  	s10 =	sadd.s32 $0xC000, s5;
	s11 =	sadd.s32 $0x10000, s5;
	s22 =	sadd.s32 s13, s1  }
0x12: {  	s23 =	sadd.s32 s20, s1;
	s24 =	sadd.s32 s25, s1;
	s13 =	simm.s32 $0x3  }
0x13: {  	s0 =	sadd.s32 s0, s6;
	s16 =	sadd.s32 s16, s3;
	s17 =	sadd.s32 s17, s3  }
0x14: {  	s18 =	sadd.s32 s18, s3;
	s22 =	sshrl.u32 s22, $0x3;
	s23 =	sshrl.u32 s23, $0x3  }
0x15: {  	s24 =	sshrl.u32 s24, $0x3;
	[dreg:$0x4] =	wrdreg s0;
	s0 =	sadd.s32 $0x200, s19  }
0x16: {  	s19 =	sshll.u32 s21, $0x4;
	s21 =	simm.s32 $0x2880;
	s26 =	sshll.u32 s0, $0x7  }
0x17: {  	s0 =	sshll.u32 s0, $0x4;
	s19 =	sadd.s32 s19, s3;
	s25 =	sadd.s32 s26, s1  }
0x18: {  	v0 =	vimm.f32 $0.0e+00;
	s20 =	sadd.s32 s0, s3;
	s26 =	simm.s32 $0x6A00;
	s25 =	sshrl.u32 s25, $0x3  }
.LBB2_1:
0x19: {  	s0 =	simm.s32 $0x0;
	s3 =	simm.s32 $0x200  }
.LBB2_2:
0x1a: {  	p0 =	sne.s32 s3, $0xFE00;
	[tilespmem:s0+$0x2A70] =	vst v0  }
0x1b: {  	[tilespmem:s0+$0x2A00] =	vst v0  }
0x1c: {  	[tilespmem:s0+$0x2A10] =	vst v0  }
.Ltmp0:
0x1d: {  	[tilespmem:s0+$0x2A20] =	vst v0;
	(pc) =	sbr.rel @p0 .LBB2_2-.Ltmp0, $4  }
0x1e: {  	[tilespmem:s0+$0x2A30] =	vst v0  }
0x1f: {  	[tilespmem:s0+$0x2A40] =	vst v0  }
0x20: {  	[tilespmem:s0+$0x2A50] =	vst v0  }
0x21: {  	[tilespmem:s0+$0x2A60] =	vst v0;
	s0 =	sshra.s32 s3, $0x2;
	s3 =	sadd.s32 $0x200, s3  }
0x22: {  	[tilespmem:s0+$0x2A70] =	vst v0  }
0x23: {  	[tilespmem:s0+$0x2A00] =	vst v0  }
0x24: {  	[tilespmem:s0+$0x2A10] =	vst v0  }
0x25: {  	[tilespmem:s0+$0x2A20] =	vst v0  }
0x26: {  	[tilespmem:s0+$0x2A30] =	vst v0  }
0x27: {  	[tilespmem:s0+$0x2A40] =	vst v0  }
0x28: {  	[tilespmem:s0+$0x2A50] =	vst v0  }
0x29: {  	[tilespmem:s0+$0x2A60] =	vst v0  }
0x2a: {  	[spmem:s5] =	stream.linear.scatter [tilespmem:s12], [sflag:$0x3], $0x4000, $0x38;
	[tilespmem:$0x1EA00] =	vst v63  }
0x2b: {  	_ =	swait.ge [sflag:s13], $0x4000  }
0x2c: {  	[sflag:s13] =	ssyncset.done $0x0  }
0x2d: {  	[sflag:s13] =	ssyncadd.s32 $0xFFFFC000  }
0x2e: {  	[spmem:s8] =	stream.linear.scatter [tilespmem:s12], [sflag:$0x3], $0x4000, $0x38;
	[tilespmem:$0x1EA00] =	vst v63  }
0x2f: {  	_ =	swait.ge [sflag:s13], $0x4000  }
0x30: {  	[sflag:s13] =	ssyncset.done $0x0  }
0x31: {  	[sflag:s13] =	ssyncadd.s32 $0xFFFFC000  }
0x32: {  	[spmem:s9] =	stream.linear.scatter [tilespmem:s12], [sflag:$0x3], $0x4000, $0x38;
	[tilespmem:$0x1EA00] =	vst v63  }
0x33: {  	_ =	swait.ge [sflag:s13], $0x4000  }
0x34: {  	[sflag:s13] =	ssyncset.done $0x0  }
0x35: {  	[sflag:s13] =	ssyncadd.s32 $0xFFFFC000  }
0x36: {  	[spmem:s10] =	stream.linear.scatter [tilespmem:s12], [sflag:$0x3], $0x4000, $0x38;
	[tilespmem:$0x1EA00] =	vst v63  }
0x37: {  	_ =	swait.ge [sflag:s13], $0x4000  }
0x38: {  	[sflag:s13] =	ssyncset.done $0x0  }
0x39: {  	[sflag:s13] =	ssyncadd.s32 $0xFFFFC000  }
0x3a: {  	[spmem:s11] =	stream.linear.scatter [tilespmem:s12], [sflag:$0x3], $0x4000, $0x38;
	[tilespmem:$0x1EA00] =	vst v63  }
0x3b: {  	_ =	swait.ge [sflag:s13], $0x4000  }
0x3c: {  	[sflag:s13] =	ssyncset.done $0x0  }
0x3d: {  	[sflag:s13] =	ssyncadd.s32 $0xFFFFC000  }
0x3e: {  	[bflag:$0x0] =	sbarrier.arrive $0xFFFF  }
0x3f: {  	s6 =	simm.s32 $0x0;
	s3 =	rddreg [dreg:$0x4]  }
0x40: {  	[tilespmem:s6], [sflag:$0x3] =	stream.linear.gather [hbm4b:s3+s6], $0x2800, $0x38;
	[tilespmem:$0x1EA00] =	vst v63  }
0x41: {  	_ =	swait.ge [sflag:s13], $0x2800  }
0x42: {  	[sflag:s13] =	ssyncset.done $0x0  }
0x43: {  	[sflag:s13] =	ssyncadd.s32 $0xFFFFD800  }
0x44: {  	v1 =	vld [tilespmem:$0x0];
	_ =	sdelay $0x1  }
0x45: {  	v2 =	vld [tilespmem:$0x10];
	_ =	sdelay $0x1  }
0x46: {  	v3 =	vld [tilespmem:$0x20]  }
0x47: {  	v4 =	vand.u32 $0xFFFF, v1  }
0x48: {  	v59 =	vld [tilespmem:$0x30];
	v1 =	vshrl.u32 v1, $0x10;
	[tilespmem:$0x2800] =	vst v4  }
0x49: {  	[tilespmem:$0x2900] =	vst v1;
	v1 =	vand.u32 $0xFFFF, v2  }
0x4a: {  	[tilespmem:$0x2810] =	vst v1;
	v1 =	vshrl.u32 v2, $0x10;
	v2 =	vld [tilespmem:$0x40]  }
0x4b: {  	[tilespmem:$0x2910] =	vst v1;
	v1 =	vand.u32 $0xFFFF, v3  }
0x4c: {  	[tilespmem:$0x2820] =	vst v1;
	v1 =	vshrl.u32 v3, $0x10;
	v3 =	vld [tilespmem:$0x50]  }
0x4d: {  	[tilespmem:$0x2920] =	vst v1;
	v1 =	vand.u32 $0xFFFF, v59  }
0x4e: {  	v60 =	vld [tilespmem:$0x60];
	[tilespmem:$0x2830] =	vst v1;
	v1 =	vshrl.u32 v59, $0x10  }
0x4f: {  	[tilespmem:$0x2930] =	vst v1;
	v1 =	vand.u32 $0xFFFF, v2  }
0x50: {  	[tilespmem:$0x2840] =	vst v1;
	v1 =	vshrl.u32 v2, $0x10;
	v2 =	vld [tilespmem:$0x70]  }
0x51: {  	[tilespmem:$0x2940] =	vst v1;
	v1 =	vand.u32 $0xFFFF, v3  }
0x52: {  	[tilespmem:$0x2850] =	vst v1;
	v1 =	vshrl.u32 v3, $0x10;
	v3 =	vld [tilespmem:$0x80]  }
0x53: {  	[tilespmem:$0x2950] =	vst v1;
	v1 =	vand.u32 $0xFFFF, v60  }
0x54: {  	v61 =	vld [tilespmem:$0x90];
	[tilespmem:$0x2860] =	vst v1;
	v1 =	vshrl.u32 v60, $0x10  }
0x55: {  	[tilespmem:$0x2960] =	vst v1;
	v1 =	vand.u32 $0xFFFF, v2  }
0x56: {  	[tilespmem:$0x2870] =	vst v1;
	v1 =	vshrl.u32 v2, $0x10;
	v2 =	vld [tilespmem:$0xA0]  }
0x57: {  	[tilespmem:$0x2970] =	vst v1;
	v1 =	vand.u32 $0xFFFF, v3  }
0x58: {  	[tilespmem:$0x2880] =	vst v1;
	v1 =	vshrl.u32 v3, $0x10;
	v3 =	vld [tilespmem:$0xB0]  }
0x59: {  	[tilespmem:$0x2980] =	vst v1;
	v1 =	vand.u32 $0xFFFF, v61  }
0x5a: {  	v62 =	vld [tilespmem:$0xC0];
	[tilespmem:$0x2890] =	vst v1;
	v1 =	vshrl.u32 v61, $0x10  }
0x5b: {  	[tilespmem:$0x2990] =	vst v1;
	v1 =	vand.u32 $0xFFFF, v2  }
0x5c: {  	[tilespmem:$0x28A0] =	vst v1;
	v1 =	vshrl.u32 v2, $0x10;
	v2 =	vld [tilespmem:$0xD0]  }
0x5d: {  	[tilespmem:$0x29A0] =	vst v1;
	v1 =	vand.u32 $0xFFFF, v3  }
0x5e: {  	[tilespmem:$0x28B0] =	vst v1;
	v1 =	vshrl.u32 v3, $0x10;
	v3 =	vld [tilespmem:$0xE0]  }
0x5f: {  	[tilespmem:$0x29B0] =	vst v1;
	v1 =	vand.u32 $0xFFFF, v62  }
0x60: {  	v63 =	vld [tilespmem:$0xF0];
	[tilespmem:$0x28C0] =	vst v1;
	v1 =	vshrl.u32 v62, $0x10  }
0x61: {  	[tilespmem:$0x29C0] =	vst v1;
	v1 =	vand.u32 $0xFFFF, v2  }
0x62: {  	[tilespmem:$0x28D0] =	vst v1;
	v1 =	vshrl.u32 v2, $0x10  }
0x63: {  	[tilespmem:$0x29D0] =	vst v1;
	v1 =	vand.u32 $0xFFFF, v3  }
0x64: {  	[tilespmem:$0x28E0] =	vst v1;
	v1 =	vshrl.u32 v3, $0x10  }
0x65: {  	[tilespmem:$0x29E0] =	vst v1;
	v1 =	vand.u32 $0xFFFF, v63  }
0x66: {  	[tilespmem:$0x28F0] =	vst v1;
	v1 =	vshrl.u32 v63, $0x10  }
0x67: {  	[tilespmem:$0x29F0] =	vst v1  }
0x68: {  	[tilespmem:s12], [sflag:$0x1] =	stream.indirect.gather [hbm4b:s4+s14], $0x80, s15, s14, $0xb8;
	[tilespmem:$0x1EA00] =	vst v63  }
0x69: {  	_ = 	snop  }
0x6a: {  	[tilespmem:s26], [sflag:$0x2] =	stream.indirect.gather [hbm4b:s4+s14], $0x80, s21, s14, $0xb8;
	[tilespmem:$0x1EA00] =	vst v63  }
0x6b: {  	_ =	swait.ge [sflag:s28], $0x4000  }
0x6c: {  	[sflag:s28] =	ssyncset.done $0x0  }
0x6d: {  	[sflag:s28] =	ssyncadd.s32 $0xFFFFC000  }
0x6e: {  	[spmem:s1] =	stream.indirect.scatter.add.f32 [tilespmem:s12], [sflag:$0x3], $0x80, s29, s14, $0xb8;
	[tilespmem:$0x1EA00] =	vst v63  }
0x6f: {  	_ =	swait.ge [sflag:s13], $0x4000  }
0x70: {  	s0 =	smin.u32 s6, $0x4C;
	[sflag:s13] =	ssyncset.done $0x0  }
0x71: {  	s0 =	sshll.u32 s0, $0x7;
	[sflag:s13] =	ssyncadd.s32 $0xFFFFC000  }
0x72: {  	v1 =	vld [tilespmem:s0+$0x100];
	_ =	sdelay $0x4  }
0x73: {  	v2 =	vand.u32 $0xFFFF, v1  }
0x74: {  	v1 =	vshrl.u32 v1, $0x10;
	[tilespmem:$0x2800] =	vst v2  }
0x75: {  	[tilespmem:$0x2900] =	vst v1  }
0x76: {  	v1 =	vld [tilespmem:s0+$0x110];
	_ =	sdelay $0x4  }
0x77: {  	v2 =	vand.u32 $0xFFFF, v1  }
0x78: {  	v1 =	vshrl.u32 v1, $0x10;
	[tilespmem:$0x2810] =	vst v2  }
0x79: {  	[tilespmem:$0x2910] =	vst v1  }
0x7a: {  	v1 =	vld [tilespmem:s0+$0x120];
	_ =	sdelay $0x4  }
0x7b: {  	v2 =	vand.u32 $0xFFFF, v1  }
0x7c: {  	v1 =	vshrl.u32 v1, $0x10;
	[tilespmem:$0x2820] =	vst v2  }
0x7d: {  	[tilespmem:$0x2920] =	vst v1  }
0x7e: {  	v1 =	vld [tilespmem:s0+$0x130];
	_ =	sdelay $0x4  }
0x7f: {  	v2 =	vand.u32 $0xFFFF, v1  }
0x80: {  	v1 =	vshrl.u32 v1, $0x10;
	[tilespmem:$0x2830] =	vst v2  }
0x81: {  	[tilespmem:$0x2930] =	vst v1  }
0x82: {  	v1 =	vld [tilespmem:s0+$0x140];
	_ =	sdelay $0x4  }
0x83: {  	v2 =	vand.u32 $0xFFFF, v1  }
0x84: {  	v1 =	vshrl.u32 v1, $0x10;
	[tilespmem:$0x2840] =	vst v2  }
0x85: {  	[tilespmem:$0x2940] =	vst v1  }
0x86: {  	v1 =	vld [tilespmem:s0+$0x150];
	_ =	sdelay $0x4  }
0x87: {  	v2 =	vand.u32 $0xFFFF, v1  }
0x88: {  	v1 =	vshrl.u32 v1, $0x10;
	[tilespmem:$0x2850] =	vst v2  }
0x89: {  	[tilespmem:$0x2950] =	vst v1  }
0x8a: {  	v1 =	vld [tilespmem:s0+$0x160];
	_ =	sdelay $0x4  }
0x8b: {  	v2 =	vand.u32 $0xFFFF, v1  }
0x8c: {  	v1 =	vshrl.u32 v1, $0x10;
	[tilespmem:$0x2860] =	vst v2  }
0x8d: {  	[tilespmem:$0x2960] =	vst v1  }
0x8e: {  	v1 =	vld [tilespmem:s0+$0x170];
	_ =	sdelay $0x4  }
0x8f: {  	v2 =	vand.u32 $0xFFFF, v1  }
0x90: {  	v1 =	vshrl.u32 v1, $0x10;
	[tilespmem:$0x2870] =	vst v2  }
0x91: {  	[tilespmem:$0x2970] =	vst v1  }
0x92: {  	[tilespmem:s12], [sflag:$0x1] =	stream.indirect.gather [hbm4b:s4+s14], $0x80, s15, s14, $0xb8;
	[tilespmem:$0x1EA00] =	vst v63  }
0x93: {  	_ =	swait.ge [sflag:s30], $0x4000  }
0x94: {  	[sflag:s30] =	ssyncset.done $0x0  }
0x95: {  	[sflag:s30] =	ssyncadd.s32 $0xFFFFC000  }
0x96: {  	[spmem:s1] =	stream.indirect.scatter.add.f32 [tilespmem:s26], [sflag:$0x3], $0x80, s31, s14, $0xb8;
	[tilespmem:$0x1EA00] =	vst v63  }
0x97: {  	_ =	swait.ge [sflag:s13], $0x4000  }
0x98: {  	[sflag:s13] =	ssyncset.done $0x0  }
0x99: {  	[sflag:s13] =	ssyncadd.s32 $0xFFFFC000  }
0x9a: {  	v1 =	vld [tilespmem:s0+$0x180];
	_ =	sdelay $0x4  }
0x9b: {  	v2 =	vand.u32 $0xFFFF, v1  }
0x9c: {  	v1 =	vshrl.u32 v1, $0x10;
	[tilespmem:$0x2880] =	vst v2  }
0x9d: {  	[tilespmem:$0x2980] =	vst v1  }
0x9e: {  	v1 =	vld [tilespmem:s0+$0x190];
	_ =	sdelay $0x4  }
0x9f: {  	v2 =	vand.u32 $0xFFFF, v1  }
0xa0: {  	v1 =	vshrl.u32 v1, $0x10;
	[tilespmem:$0x2890] =	vst v2  }
0xa1: {  	[tilespmem:$0x2990] =	vst v1  }
0xa2: {  	v1 =	vld [tilespmem:s0+$0x1A0];
	_ =	sdelay $0x4  }
0xa3: {  	v2 =	vand.u32 $0xFFFF, v1  }
0xa4: {  	v1 =	vshrl.u32 v1, $0x10;
	[tilespmem:$0x28A0] =	vst v2  }
0xa5: {  	[tilespmem:$0x29A0] =	vst v1  }
0xa6: {  	v1 =	vld [tilespmem:s0+$0x1B0];
	_ =	sdelay $0x4  }
0xa7: {  	v2 =	vand.u32 $0xFFFF, v1  }
0xa8: {  	v1 =	vshrl.u32 v1, $0x10;
	[tilespmem:$0x28B0] =	vst v2  }
0xa9: {  	[tilespmem:$0x29B0] =	vst v1  }
0xaa: {  	v1 =	vld [tilespmem:s0+$0x1C0];
	_ =	sdelay $0x4  }
0xab: {  	v2 =	vand.u32 $0xFFFF, v1  }
0xac: {  	v1 =	vshrl.u32 v1, $0x10;
	[tilespmem:$0x28C0] =	vst v2  }
0xad: {  	[tilespmem:$0x29C0] =	vst v1  }
0xae: {  	v1 =	vld [tilespmem:s0+$0x1D0];
	_ =	sdelay $0x4  }
0xaf: {  	v2 =	vand.u32 $0xFFFF, v1  }
0xb0: {  	v1 =	vshrl.u32 v1, $0x10;
	[tilespmem:$0x28D0] =	vst v2  }
0xb1: {  	s3 =	simm.s32 $0x2;
	[tilespmem:$0x29D0] =	vst v1  }
.LBB2_4:
0xb2: {  	p0 =	sne.s32 s3, $0x4E;
	v1 =	vld [tilespmem:s0+$0x1E0];
	s6 =	smov.u32 s3;
	s3 =	sadd.s32 $0x2, s3  }
0xb3: {  	_ =	sdelay $0x3  }
0xb4: {  	v2 =	vand.u32 $0xFFFF, v1;
	v1 =	vshrl.u32 v1, $0x10  }
0xb5: {  	[tilespmem:$0x28E0] =	vst v2  }
0xb6: {  	[tilespmem:$0x29E0] =	vst v1  }
0xb7: {  	v1 =	vld [tilespmem:s0+$0x1F0];
	_ =	sdelay $0x4  }
0xb8: {  	v2 =	vand.u32 $0xFFFF, v1;
	v1 =	vshrl.u32 v1, $0x10  }
0xb9: {  	[tilespmem:$0x28F0] =	vst v2  }
0xba: {  	[tilespmem:$0x29F0] =	vst v1  }
0xbb: {  	[tilespmem:s26], [sflag:$0x2] =	stream.indirect.gather [hbm4b:s4+s14], $0x80, s21, s14, $0xb8;
	[tilespmem:$0x1EA00] =	vst v63  }
0xbc: {  	_ =	swait.ge [sflag:s28], $0x4000  }
0xbd: {  	[sflag:s28] =	ssyncset.done $0x0  }
0xbe: {  	[sflag:s28] =	ssyncadd.s32 $0xFFFFC000  }
0xbf: {  	[spmem:s1] =	stream.indirect.scatter.add.f32 [tilespmem:s12], [sflag:$0x3], $0x80, s29, s14, $0xb8;
	[tilespmem:$0x1EA00] =	vst v63  }
0xc0: {  	_ =	swait.ge [sflag:s13], $0x4000  }
0xc1: {  	s0 =	smin.u32 s6, $0x4C;
	[sflag:s13] =	ssyncset.done $0x0  }
0xc2: {  	s0 =	sshll.u32 s0, $0x7;
	[sflag:s13] =	ssyncadd.s32 $0xFFFFC000  }
0xc3: {  	v1 =	vld [tilespmem:s0+$0x100];
	_ =	sdelay $0x4  }
0xc4: {  	v2 =	vand.u32 $0xFFFF, v1;
	v1 =	vshrl.u32 v1, $0x10  }
0xc5: {  	[tilespmem:$0x2800] =	vst v2  }
0xc6: {  	[tilespmem:$0x2900] =	vst v1  }
0xc7: {  	v1 =	vld [tilespmem:s0+$0x110];
	_ =	sdelay $0x4  }
0xc8: {  	v2 =	vand.u32 $0xFFFF, v1;
	v1 =	vshrl.u32 v1, $0x10  }
0xc9: {  	[tilespmem:$0x2810] =	vst v2  }
0xca: {  	[tilespmem:$0x2910] =	vst v1  }
0xcb: {  	v1 =	vld [tilespmem:s0+$0x120];
	_ =	sdelay $0x4  }
0xcc: {  	v2 =	vand.u32 $0xFFFF, v1;
	v1 =	vshrl.u32 v1, $0x10  }
0xcd: {  	[tilespmem:$0x2820] =	vst v2  }
0xce: {  	[tilespmem:$0x2920] =	vst v1  }
0xcf: {  	v1 =	vld [tilespmem:s0+$0x130];
	_ =	sdelay $0x4  }
0xd0: {  	v2 =	vand.u32 $0xFFFF, v1;
	v1 =	vshrl.u32 v1, $0x10  }
0xd1: {  	[tilespmem:$0x2830] =	vst v2  }
0xd2: {  	[tilespmem:$0x2930] =	vst v1  }
0xd3: {  	v1 =	vld [tilespmem:s0+$0x140];
	_ =	sdelay $0x4  }
0xd4: {  	v2 =	vand.u32 $0xFFFF, v1;
	v1 =	vshrl.u32 v1, $0x10  }
0xd5: {  	[tilespmem:$0x2840] =	vst v2  }
0xd6: {  	[tilespmem:$0x2940] =	vst v1  }
0xd7: {  	v1 =	vld [tilespmem:s0+$0x150];
	_ =	sdelay $0x4  }
0xd8: {  	v2 =	vand.u32 $0xFFFF, v1;
	v1 =	vshrl.u32 v1, $0x10  }
0xd9: {  	[tilespmem:$0x2850] =	vst v2  }
0xda: {  	[tilespmem:$0x2950] =	vst v1  }
0xdb: {  	v1 =	vld [tilespmem:s0+$0x160];
	_ =	sdelay $0x4  }
0xdc: {  	v2 =	vand.u32 $0xFFFF, v1;
	v1 =	vshrl.u32 v1, $0x10  }
0xdd: {  	[tilespmem:$0x2860] =	vst v2  }
0xde: {  	[tilespmem:$0x2960] =	vst v1  }
0xdf: {  	v1 =	vld [tilespmem:s0+$0x170];
	_ =	sdelay $0x4  }
0xe0: {  	v2 =	vand.u32 $0xFFFF, v1;
	v1 =	vshrl.u32 v1, $0x10  }
0xe1: {  	[tilespmem:$0x2870] =	vst v2  }
0xe2: {  	[tilespmem:$0x2970] =	vst v1  }
0xe3: {  	[tilespmem:s12], [sflag:$0x1] =	stream.indirect.gather [hbm4b:s4+s14], $0x80, s15, s14, $0xb8;
	[tilespmem:$0x1EA00] =	vst v63  }
0xe4: {  	_ =	swait.ge [sflag:s30], $0x4000  }
0xe5: {  	[sflag:s30] =	ssyncset.done $0x0  }
0xe6: {  	[sflag:s30] =	ssyncadd.s32 $0xFFFFC000  }
0xe7: {  	[spmem:s1] =	stream.indirect.scatter.add.f32 [tilespmem:s26], [sflag:$0x3], $0x80, s31, s14, $0xb8;
	[tilespmem:$0x1EA00] =	vst v63  }
0xe8: {  	_ =	swait.ge [sflag:s13], $0x4000  }
0xe9: {  	[sflag:s13] =	ssyncset.done $0x0  }
0xea: {  	[sflag:s13] =	ssyncadd.s32 $0xFFFFC000  }
0xeb: {  	v1 =	vld [tilespmem:s0+$0x180];
	_ =	sdelay $0x4  }
0xec: {  	v2 =	vand.u32 $0xFFFF, v1;
	v1 =	vshrl.u32 v1, $0x10  }
0xed: {  	[tilespmem:$0x2880] =	vst v2  }
0xee: {  	[tilespmem:$0x2980] =	vst v1  }
0xef: {  	v1 =	vld [tilespmem:s0+$0x190];
	_ =	sdelay $0x4  }
0xf0: {  	v2 =	vand.u32 $0xFFFF, v1;
	v1 =	vshrl.u32 v1, $0x10  }
0xf1: {  	[tilespmem:$0x2890] =	vst v2  }
0xf2: {  	[tilespmem:$0x2990] =	vst v1  }
0xf3: {  	v1 =	vld [tilespmem:s0+$0x1A0];
	_ =	sdelay $0x4  }
0xf4: {  	v2 =	vand.u32 $0xFFFF, v1;
	v1 =	vshrl.u32 v1, $0x10  }
0xf5: {  	[tilespmem:$0x28A0] =	vst v2  }
0xf6: {  	[tilespmem:$0x29A0] =	vst v1  }
0xf7: {  	v1 =	vld [tilespmem:s0+$0x1B0];
	_ =	sdelay $0x4  }
0xf8: {  	v2 =	vand.u32 $0xFFFF, v1;
	v1 =	vshrl.u32 v1, $0x10  }
0xf9: {  	[tilespmem:$0x28B0] =	vst v2  }
0xfa: {  	[tilespmem:$0x29B0] =	vst v1  }
0xfb: {  	v1 =	vld [tilespmem:s0+$0x1C0];
	_ =	sdelay $0x4  }
0xfc: {  	v2 =	vand.u32 $0xFFFF, v1;
	v1 =	vshrl.u32 v1, $0x10  }
0xfd: {  	[tilespmem:$0x28C0] =	vst v2  }
0xfe: {  	[tilespmem:$0x29C0] =	vst v1  }
0xff: {  	v1 =	vld [tilespmem:s0+$0x1D0];
	_ =	sdelay $0x2  }
.Ltmp1:
0x100: {  	(pc) =	sbr.rel @p0 .LBB2_4-.Ltmp1, $4  }
0x101: {  	_ = 	snop  }
0x102: {  	v2 =	vand.u32 $0xFFFF, v1;
	v1 =	vshrl.u32 v1, $0x10  }
0x103: {  	[tilespmem:$0x28D0] =	vst v2  }
0x104: {  	[tilespmem:$0x29D0] =	vst v1  }
0x105: {  	v1 =	vld [tilespmem:s0+$0x1E0];
	_ =	sdelay $0x4  }
0x106: {  	v2 =	vand.u32 $0xFFFF, v1  }
0x107: {  	v1 =	vshrl.u32 v1, $0x10;
	[tilespmem:$0x28E0] =	vst v2  }
0x108: {  	[tilespmem:$0x29E0] =	vst v1  }
0x109: {  	v1 =	vld [tilespmem:s0+$0x1F0];
	_ =	sdelay $0x4  }
0x10a: {  	v2 =	vand.u32 $0xFFFF, v1  }
0x10b: {  	v1 =	vshrl.u32 v1, $0x10;
	[tilespmem:$0x28F0] =	vst v2  }
0x10c: {  	[tilespmem:$0x29F0] =	vst v1  }
0x10d: {  	[tilespmem:s26], [sflag:$0x2] =	stream.indirect.gather [hbm4b:s4+s14], $0x80, s21, s14, $0xb8;
	[tilespmem:$0x1EA00] =	vst v63  }
0x10e: {  	_ =	swait.ge [sflag:s28], $0x4000  }
0x10f: {  	[sflag:s28] =	ssyncset.done $0x0  }
0x110: {  	[sflag:s28] =	ssyncadd.s32 $0xFFFFC000  }
0x111: {  	_ =	swait.ge [sflag:s30], $0x4000  }
0x112: {  	s6 =	stileid.u32;
	[sflag:s30] =	ssyncset.done $0x0  }
0x113: {  	s0 =	sshll.u32 s6, $0x6;
	[sflag:s30] =	ssyncadd.s32 $0xFFFFC000  }
0x114: {  	s3 =	sshrl.u32 s5, $0x3;
	s0 =	sor.u32 $0x1C03, s0;
	[bflag:$0x0] =	sbarrier.arrive $0xFFFF  }
0x115: {  	[hbm:s16], [sflag:s0] =	dma.local [spmem:s3], $0x800  }
0x116: {  	_ =	swait.ge [sflag:s13], $0x800  }
0x117: {  	[sflag:s13] =	ssyncset.done $0x0  }
0x118: {  	[sflag:s13] =	ssyncadd.s32 $0xFFFFF800  }
0x119: {  	[hbm:s17], [sflag:s0] =	dma.local [spmem:s22], $0x800  }
0x11a: {  	_ =	swait.ge [sflag:s13], $0x800  }
0x11b: {  	[sflag:s13] =	ssyncset.done $0x0  }
0x11c: {  	[sflag:s13] =	ssyncadd.s32 $0xFFFFF800  }
0x11d: {  	[hbm:s18], [sflag:s0] =	dma.local [spmem:s23], $0x800  }
0x11e: {  	_ =	swait.ge [sflag:s13], $0x800  }
0x11f: {  	[sflag:s13] =	ssyncset.done $0x0  }
0x120: {  	[sflag:s13] =	ssyncadd.s32 $0xFFFFF800  }
0x121: {  	[hbm:s19], [sflag:s0] =	dma.local [spmem:s24], $0x800  }
0x122: {  	s2 =	sadd.s32 $0x1, s2;
	_ =	swait.ge [sflag:s13], $0x800  }
0x123: {  	p0 =	sne.s32 s2, s7;
	[sflag:s13] =	ssyncset.done $0x0  }
.Ltmp2:
0x124: {  	[sflag:s13] =	ssyncadd.s32 $0xFFFFF800;
	(pc) =	sbr.rel @p0 .LBB2_1-.Ltmp2, $4  }
0x125: {  	[hbm:s20], [sflag:s0] =	dma.local [spmem:s25], $0x800  }
0x126: {  	_ =	swait.ge [sflag:s13], $0x800  }
0x127: {  	[sflag:s13] =	ssyncset.done $0x0  }
0x128: {  	[sflag:s13] =	ssyncadd.s32 $0xFFFFF800  }
0x129: {  	_ =	sfence.sel $0x180000  }
0x12a: {  	[bflag:$0x0] =	sbarrier.arrive $0xFFFF  }
0x12b: {  	_ =	strace $0x9000004D  }
0x12c: {  	s0 =	stileid.u32;
	[bflag:$0x2] =	sbarrier.arrive $0xFFFF  }
0x12d: {  	p0 =	sne.s32 s0, $0x0;
	s0 =	rddreg [dreg:$0x3]  }
0x12e: {  	s0 =	sadd.s32 @!p0 $0x100000, s0  }
0x12f: {  	[sflag:s0] =	ssyncadd.tile.s32 @!p0 $0x1;
	_ =	shalt  }
.Lfunc_end2:
_tile_overlayer_lowered:
.L_overlay_start_2:
0x130: {  	(tag) =	ssettag $0x2  }
0x131: {  	s0 =	rddreg [dreg:$0x0];
	s2 =	stileid.u32  }
0x132: {  	s1 =	rddreg [dreg:$0x1];
	p0 =	sne.s32 s2, $0x0  }
0x133: {  	s3 =	rddreg [dreg:$0x2];
	[bflag:$0x3] =	sbarrier.arrive $0xFFFF;
	s2 =	simm.s32 @!p0 $0x1C03  }
0x134: {  	[timem:s3], [sflag:s2] =	dma.local @!p0 [hbm:s0], s1  }
0x135: {  	s0 =	simm.s32 @!p0 $0x3  }
0x136: {  	_ =	swait.ge @!p0 [sflag:s0], s1  }
0x137: {  	s1 =	ssub.s32 @!p0 $0x0, s1;
	[sflag:s0] =	ssyncset.done @!p0 $0x0  }
0x138: {  	[sflag:s0] =	ssyncadd.s32 @!p0 s1  }
0x139: {  	[bflag:$0x3] =	sbarrier.arrive $0xFFFF  }
0x13a: {  	_ =	shalt  }

// kernel: kernel.7.cloned.1.call-start
scs
__scs_entry_jumppad:
0x0: {  	(pc) =	sbr.rel $0x88, $3  }
0x1: {  	(tag) =	ssettag $0x0;
	lr =	simm.s32 $0x1  }
0x2: {  	[smem:$0x3F99] =	sst lr;
	_ =	strace $0xD0000000  }
0x3: {  	_ = 	snop  }
0x4: {  	_ = 	snop  }
0x5: {  	_ = 	snop  }
0x6: {  	_ = 	snop  }
0x7: {  	_ = 	snop  }
__scs_overlays_trampoline_lowered:
0x8: {  	[smem:$0x3FA8] =	sst s0  }
0x9: {  	[smem:$0x3FA9] =	sst s1  }
0xa: {  	[smem:$0x3FAA] =	sst s2  }
0xb: {  	[smem:$0x3FAB] =	sst s3  }
0xc: {  	[smem:$0x3FAC] =	sst s4  }
0xd: {  	[smem:$0x3FAD] =	sst s5  }
0xe: {  	[smem:$0x3FAE] =	sst s6  }
0xf: {  	[smem:$0x3FAF] =	sst s7  }
0x10: {  	[smem:$0x3FB0] =	sst s8  }
0x11: {  	[smem:$0x3FB1] =	sst s9;
	s0 =	simm.s32 @!p0 $0x0  }
0x12: {  	s1 =	sld [smem:$0x3F97];
	s0 =	simm.s32 @p0 $0x1  }
0x13: {  	[smem:$0x3FB2] =	sst s0;
	s0 =	simm.s32 @!p1 $0x0  }
0x14: {  	s2 =	sld [smem:$0x3F96];
	s0 =	simm.s32 @p1 $0x1  }
0x15: {  	[smem:$0x3FB3] =	sst s0;
	s0 =	simm.s32 @!p2 $0x0  }
0x16: {  	s3 =	sld [smem:$0x3FDB];
	s0 =	simm.s32 @p2 $0x1  }
0x17: {  	s4 =	simm.s32 $0x1BF5;
	[smem:$0x3FB5] =	sst s0  }
0x18: {  	s0 =	sld [smem:$0x3F98];
	_ =	swait.ge [sflag:s4], $0x0  }
0x19: {  	s7 =	sld [smem:$0x3F99]  }
0x1a: {  	s8 =	sadd.s32 $0xFFFFE003, lr  }
0x1b: {  	s9 =	sadd.s32 $0xFFFFFEF7, lr;
	s5 =	simm.s32 $0xFFFFFFFF;
	p2 =	slt.u32 s8, $0xFFFFF086  }
0x1c: {  	p1 =	slt.u32 s9, $0xF7A;
	s5 =	simm.s32 @!p2 $0x0  }
0x1d: {  	s5 =	simm.s32 @p1 $0x1;
	p0 =	seq.s32 s7, s2  }
0x1e: {  	s7 =	smul.u32 @!p0 $0xF7A, s2;
	p2 =	seq.s32 @!p0 s5, $0x0  }
0x1f: {  	s9 =	smul.u32 $0xF7A, s1;
	s8 =	simm.s32 @!p0 $0x1BF5;
	p2 =	por !p2, p0  }
0x20: {  	[sflag:s8] =	ssyncset.s32 @!p0 $0xFFFFF086;
	s6 =	sadd.s32 @!p0 s3, s7;
	s7 =	simm.s32 @!p0 $0x108  }
0x21: {  	s3 =	sadd.s32 s3, s9;
	s6 =	sadd.s32 @!p0 $0x88, s6;
	s7 =	simm.s32 @p2 $0x1082  }
0x22: {  	[simem:s7], [sflag:s8] =	dma.local @!p0 [hbm:s6], $0xF7A  }
0x23: {  	s9 =	sor.u32 $0xD0000000, s2;
	s6 =	simm.s32 $0x108;
	_ =	swait.ge @!p0 [sflag:s8], $0x0  }
0x24: {  	s3 =	sadd.s32 $0x88, s3;
	s6 =	simm.s32 @!p1 $0x1082;
	[sflag:s4] =	ssyncset.s32 $0xFFFFF086  }
0x25: {  	[simem:s6], [sflag:s4] =	dma.local [hbm:s3], $0xF7A  }
0x26: {  	[smem:$0x3F99] =	sst s1;
	(tag) =	ssettag s2;
	_ =	strace s9  }
0x27: {  	s1 =	sld [smem:$0x3FA9]  }
0x28: {  	s2 =	sld [smem:$0x3FAA]  }
0x29: {  	s4 =	sld [smem:$0x3FAC]  }
0x2a: {  	p0 =	seq.s32 s5, $0x0;
	s5 =	sld [smem:$0x3FAD]  }
0x2b: {  	s6 =	sld [smem:$0x3FAE]  }
0x2c: {  	s7 =	sld [smem:$0x3FAF]  }
0x2d: {  	s3 =	simm.s32 $0x108;
	s8 =	sld [smem:$0x3FB0]  }
0x2e: {  	s3 =	simm.s32 @!p0 $0x1082;
	s9 =	sld [smem:$0x3FB1]  }
0x2f: {  	lr =	sadd.s32 s0, s3;
	s0 =	sld [smem:$0x3FA8]  }
0x30: {  	s3 =	sld [smem:$0x3FAB]  }
0x31: {  	[smem:$0x3FB4] =	sst s10  }
0x32: {  	s10 =	sld [smem:$0x3FB2];
	_ =	sdelay $0x3  }
0x33: {  	p0 =	seq.s32 s10, $0x1;
	s10 =	sld [smem:$0x3FB4];
	_ =	sdelay $0x3  }
0x34: {  	[smem:$0x3FB4] =	sst s10  }
0x35: {  	s10 =	sld [smem:$0x3FB3];
	_ =	sdelay $0x3  }
0x36: {  	p1 =	seq.s32 s10, $0x1;
	s10 =	sld [smem:$0x3FB4];
	_ =	sdelay $0x3  }
0x37: {  	[smem:$0x3FB4] =	sst s10  }
0x38: {  	s10 =	sld [smem:$0x3FB5]  }
0x39: {  	_ = 	snop;
	(pc) =	sbr.ind lr, $3  }
0x3a: {  	_ = 	snop  }
0x3b: {  	_ = 	snop  }
0x3c: {  	p2 =	seq.s32 s10, $0x1;
	s10 =	sld [smem:$0x3FB4]  }
0x3d: {  	_ =	shalt  }
0x3e: {  	_ =	shalt  }
0x3f: {  	_ =	shalt  }
0x40: {  	_ =	shalt  }
0x41: {  	_ =	shalt  }
0x42: {  	_ =	shalt  }
0x43: {  	_ =	shalt  }
0x44: {  	_ =	shalt  }
0x45: {  	_ =	shalt  }
0x46: {  	_ =	shalt  }
0x47: {  	_ =	shalt  }
0x48: {  	_ =	shalt  }
0x49: {  	_ =	shalt  }
0x4a: {  	_ =	shalt  }
0x4b: {  	_ =	shalt  }
0x4c: {  	_ =	shalt  }
0x4d: {  	_ =	shalt  }
0x4e: {  	_ =	shalt  }
0x4f: {  	_ =	shalt  }
0x50: {  	_ =	shalt  }
0x51: {  	_ =	shalt  }
0x52: {  	_ =	shalt  }
0x53: {  	_ =	shalt  }
0x54: {  	_ =	shalt  }
0x55: {  	_ =	shalt  }
0x56: {  	_ =	shalt  }
0x57: {  	_ =	shalt  }
0x58: {  	_ =	shalt  }
0x59: {  	_ =	shalt  }
0x5a: {  	_ =	shalt  }
0x5b: {  	_ =	shalt  }
0x5c: {  	_ =	shalt  }
0x5d: {  	_ =	shalt  }
0x5e: {  	_ =	shalt  }
0x5f: {  	_ =	shalt  }
0x60: {  	_ =	shalt  }
0x61: {  	_ =	shalt  }
0x62: {  	_ =	shalt  }
0x63: {  	_ =	shalt  }
0x64: {  	_ =	shalt  }
0x65: {  	_ =	shalt  }
0x66: {  	_ =	shalt  }
0x67: {  	_ =	shalt  }
0x68: {  	_ =	shalt  }
0x69: {  	_ =	shalt  }
0x6a: {  	_ =	shalt  }
0x6b: {  	_ =	shalt  }
0x6c: {  	_ =	shalt  }
0x6d: {  	_ =	shalt  }
0x6e: {  	_ =	shalt  }
0x6f: {  	_ =	shalt  }
0x70: {  	_ =	shalt  }
0x71: {  	_ =	shalt  }
0x72: {  	_ =	shalt  }
0x73: {  	_ =	shalt  }
0x74: {  	_ =	shalt  }
0x75: {  	_ =	shalt  }
0x76: {  	_ =	shalt  }
0x77: {  	_ =	shalt  }
0x78: {  	_ =	shalt  }
0x79: {  	_ =	shalt  }
0x7a: {  	_ =	shalt  }
0x7b: {  	_ =	shalt  }
0x7c: {  	_ =	shalt  }
0x7d: {  	_ =	shalt  }
0x7e: {  	_ =	shalt  }
0x7f: {  	_ =	shalt  }
0x80: {  	_ =	shalt  }
0x81: {  	_ =	shalt  }
0x82: {  	_ =	shalt  }
0x83: {  	_ =	shalt  }
0x84: {  	_ =	shalt  }
0x85: {  	_ =	shalt  }
0x86: {  	_ =	shalt  }
0x87: {  	_ =	shalt  }
.Lfunc_end0:
.L_simem_size_0:
called_computation_lowered:
.L_overlay_start_0:
0x88: {  	s2 =	sld [smem:$0x3FD9]  }
0x89: {  	s3 =	sld [smem:$0x3FFE];
	_ =	sdelay $0x1  }
0x8a: {  	s1 =	srdreg.scid  }
0x8b: {  	s0 =	sand.u32 $0x1, s1  }
0x8c: {  	s17 =	sshll.u32 s0, $0xA;
	s2 =	sadd.s32 s3, s2  }
0x8d: {  	s2 =	sadd.s32 s2, s17  }
0x8e: {  	[smem:$0x3FC0] =	sst s2  }
0x8f: {  	_ = 	snop  }
0x90: {  	(tm) =	ssettm $0x1  }
0x91: {  	s18 =	sld [smem:$0x3FFB];
	_ =	sdelay $0x3  }
0x92: {  	_ =	strace s18  }
0x93: {  	s2 =	sld [smem:$0x3FFC];
	_ =	sdelay $0x3  }
0x94: {  	_ =	strace s2  }
0x95: {  	s2 =	sld [smem:$0x3FFD];
	_ =	sdelay $0x3  }
0x96: {  	_ =	strace s2  }
0x97: {  	_ =	strace $0x8FFFFFFF  }
0x98: {  	s19 =	sld [smem:$0x3FDB];
	_ =	sdelay $0x1  }
0x99: {  	s20 =	simm.s32 $_scs_section_size  }
0x9a: {  	s4 =	simm.s32 $_size__tile_overlayer_lowered;
	s5 =	simm.s32 $_tile_overlayer_lowered  }
0x9b: {  	s6 =	simm.s32 $0x1BFF;
	s21 =	sshll.u32 s5, $0x1;
	s3 =	sadd.s32 s20, s19  }
0x9c: {  	s22 =	simm.s32 $0x0;
	s4 =	sshll.u32 s4, $0x1;
	s5 =	sadd.s32 s21, s3  }
0x9d: {  	[timem:s22], [sflag:s6] =	dma.local [hbm:s5], s4  }
0x9e: {  	_ =	swait.ge [sflag:s6], s4  }
0x9f: {  	s4 =	ssub.s32 $0x0, s4;
	[sflag:s6] =	ssyncset.done $0x0  }
0xa0: {  	[sflag:s6] =	ssyncadd.s32 s4;
	_ =	sdelay $0x1  }
0xa1: {  	s23 =	simm.s32 $0x1B8B  }
0xa2: {  	_ =	swait.ge [sflag:s23], $0x1  }
0xa3: {  	[sflag:s23] =	ssyncset.done $0x0  }
0xa4: {  	[sflag:s23] =	ssyncadd.s32 $0xFFFFFFFF  }
0xa5: {  	s4 =	sld [smem:$0x0]  }
0xa6: {  	s5 =	sand.u32 $0xFFFFFFFE, s1  }
0xa7: {  	p0 =	sne.s32 s1, s5  }
0xa8: {  	s5 =	sshll.u32 @p0 s5, $0xE  }
0xa9: {  	s5 =	sadd.s32 @p0 $0x11B8D, s5;
	s6 =	sshll.u32 @p0 s4, $0x11  }
0xaa: {  	s5 =	sor.u32 @p0 s6, s5  }
0xab: {  	[sflag:s5] =	ssyncadd.remote.s32 @p0 $0x1;
	_ =	sdelay $0x1  }
0xac: {  	s5 =	simm.s32 @p0 $0x1B8D  }
0xad: {  	_ =	swait.eq @p0 [sflag:s5], $0x1  }
0xae: {  	[sflag:s5] =	ssyncadd.s32 @p0 $0xFFFFFFFF  }
0xaf: {  	s6 =	sshll.u32 @!p0 s1, $0xE  }
0xb0: {  	s6 =	sor.u32 @!p0 $0x4000, s6;
	s5 =	simm.s32 @!p0 $0x1B8D  }
0xb1: {  	s4 =	sshll.u32 @!p0 s4, $0x11;
	s6 =	sadd.s32 @!p0 $0x11B8D, s6;
	_ =	swait.eq @!p0 [sflag:s5], $0x1  }
0xb2: {  	s4 =	sor.u32 @!p0 s4, s6;
	[sflag:s5] =	ssyncadd.s32 @!p0 $0xFFFFFFFF  }
0xb3: {  	s25 =	simm.s32 $0x1B8E;
	s24 =	sld [smem:$0x3FFE];
	[sflag:s4] =	ssyncadd.remote.s32 @!p0 $0x1  }
0xb4: {  	s26 =	simm.s32 $execute0_lowered;
	[smem:$0x3FD2] =	sst s25  }
0xb5: {  	s5 =	sshll.u32 s26, $0x1;
	_ =	strace $0x80000049;
	[dreg:$0x1] =	wrdreg $0xFFFFFFFF  }
0xb6: {  	s28 =	simm.s32 $_size_execute0_lowered;
	s3 =	sadd.s32 s3, s5;
	[dreg:$0x0] =	wrdreg $0x0  }
0xb7: {  	s5 =	sshll.u32 s28, $0x1;
	[dreg:$0x2] =	wrdreg s3  }
0xb8: {  	[dreg:$0x3] =	wrdreg s5  }
0xb9: {  	[dreg:$0x4] =	wrdreg $0xC0  }
0xba: {  	_ =	task [dreg:s22], $0x5FFFF  }
0xbb: {  	[dreg:$0x1] =	wrdreg $0xFFFFFFFF  }
0xbc: {  	[dreg:$0x0] =	wrdreg $0x60  }
0xbd: {  	[dreg:$0x2] =	wrdreg s24  }
0xbe: {  	[dreg:$0x3] =	wrdreg $0x68000  }
0xbf: {  	[dreg:$0x4] =	wrdreg $0x9  }
0xc0: {  	_ =	task.clear_ibuf [dreg:s22], $0x5FFFF;
	_ =	strace $0x90000049  }
0xc1: {  	s29 =	simm.s32 $0x9;
	_ =	strace $0x8000004B  }
0xc2: {  	_ =	swait.ge [sflag:s29], $0x1  }
0xc3: {  	[sflag:s29] =	ssyncadd.s32 $0xFFFFFFFF  }
0xc4: {  	_ =	strace $0x9000004B  }
0xc5: {  	_ =	sfence  }
0xc6: {  	s30 =	sld [smem:$0x0];
	_ =	sdelay $0x2  }
0xc7: {  	s31 =	sshll.u32 s1, $0xD;
	s1 =	sshrl.u32 s1, $0x2  }
0xc8: {  	s4 =	sand.u32 $0x4000, s31;
	s1 =	sadd.s32 s1, s30  }
0xc9: {  	s0 =	sor.u32 s4, s0;
	s1 =	sshll.u32 s1, $0x11  }
0xca: {  	s0 =	sor.u32 s1, s0  }
0xcb: {  	s0 =	sadd.s32 $0x8F2B, s0  }
0xcc: {  	[sflag:s0] =	ssyncadd.remote.s32 $0x1  }
0xcd: {  	_ =	sfence.sel $0xFFFF  }
0xce: {  	[dreg:$0x0] =	wrdreg $0xFFFFFFFF;
	(pc) =	sbr.abs _section_cstart, $3  }
0xcf: {  	[dreg:$0x1] =	wrdreg $0xFFFFFFFF  }
0xd0: {  	_ =	task.clear_ibuf [dreg:s22], $0x2FFFF;
	_ =	strace $0x9FFFFFFF  }
0xd1: {  	(tm) =	ssettm $0x7FFFFFFF  }
tec
execute0_lowered:
.L_overlay_start_1:
0x0: {  	(tag) =	ssettag $0x1  }
0x1: {  	s0 =	srdreg.scid  }
0x2: {  	s5 =	rddreg [dreg:$0x0];
	s4 =	sand.u32 $0x1, s0  }
0x3: {  	s0 =	stileid.u32;
	s7 =	smul.u32 $0x28000, s4  }
0x4: {  	s2 =	rddreg [dreg:$0x1];
	s8 =	smul.u32 $0x50000, s0  }
0x5: {  	s3 =	simm.s32 $0x0;
	s1 =	sshll.u32 s4, $0x4;
	s11 =	smul.u32 $0x280, s0  }
0x6: {  	s4 =	ssub.s32 $0x2, s4;
	s14 =	smul.u32 $0x2800, s0;
	s1 =	sor.u32 s0, s1  }
0x7: {  	[smem:$0x7FF] =	sst s3;
	s26 =	sshrl.u32 s4, $0x1;
	s6 =	smul.u32 $0x500, s1  }
0x8: {  	s1 =	rddreg [dreg:$0x2];
	_ =	strace $0x8000004A;
	s7 =	sadd.s32 s7, s5  }
0x9: {  	s8 =	sshrl.u32 s8, $0x2;
	s9 =	ssub.s32 s4, s26;
	s12 =	sadd.s32 $0x80, s11  }
0xa: {  	s28 =	sadd.s32 $0x100, s11;
	s17 =	sadd.s32 $0x180, s11;
	s11 =	sadd.s32 $0x200, s11  }
0xb: {  	s4 =	sadd.s32 s8, s2;
	s21 =	sadd.s32 $0x5C600, s7;
	s13 =	sshll.u32 s12, $0x7  }
0xc: {  	s15 =	sshll.u32 s12, $0x4;
	s29 =	sshll.u32 s28, $0x7;
	s30 =	sshll.u32 s17, $0x7  }
0xd: {  	s19 =	sshll.u32 s28, $0x4;
	s31 =	sshll.u32 s11, $0x7;
	s22 =	sshll.u32 s17, $0x4  }
0xe: {  	s24 =	sshll.u32 s11, $0x4;
	s11 =	simm.s32 $0x2800;
	s12 =	simm.s32 $0x1  }
0xf: {  	s6 =	sadd.s32 s6, s5;
	s7 =	sadd.s32 $0x4000, s4;
	s8 =	sadd.s32 $0x8000, s4  }
0x10: {  	s10 =	sadd.s32 $0x10000, s4;
	s16 =	sadd.s32 s13, s2;
	s18 =	sadd.s32 s29, s2  }
0x11: {  	s20 =	sadd.s32 s30, s2;
	s23 =	sadd.s32 s31, s2;
	s13 =	simm.s32 $0x80  }
0x12: {  	s14 =	sadd.s32 s14, s21;
	s15 =	sadd.s32 s15, s21;
	s17 =	sadd.s32 s19, s21  }
0x13: {  	s19 =	sadd.s32 s22, s21;
	s21 =	sadd.s32 s24, s21;
	s5 =	sadd.s32 $0x2600, s6  }
0x14: {  	s6 =	smax.u32 s9, $0x1;
	s9 =	sadd.s32 $0xC000, s4;
	s16 =	sshrl.u32 s16, $0x3  }
0x15: {  	v0 =	vimm.f32 $0.0e+00;
	v1 =	vimm.f32 $1.000000000e+00;
	s18 =	sshrl.u32 s18, $0x3;
	s20 =	sshrl.u32 s20, $0x3;
	s22 =	sshrl.u32 s23, $0x3  }
.LBB2_1:
0x16: {  	s23 =	simm.s32 $0x0;
	s24 =	simm.s32 $0x200  }
.LBB2_2:
0x17: {  	p0 =	sne.s32 s24, $0xFE00;
	[tilespmem:s23+$0x2870] =	vst v0  }
0x18: {  	[tilespmem:s23+$0x2800] =	vst v0  }
0x19: {  	[tilespmem:s23+$0x2810] =	vst v0  }
.Ltmp0:
0x1a: {  	[tilespmem:s23+$0x2820] =	vst v0;
	(pc) =	sbr.rel @p0 .LBB2_2-.Ltmp0, $4  }
0x1b: {  	[tilespmem:s23+$0x2830] =	vst v0  }
0x1c: {  	[tilespmem:s23+$0x2840] =	vst v0  }
0x1d: {  	[tilespmem:s23+$0x2850] =	vst v0  }
0x1e: {  	[tilespmem:s23+$0x2860] =	vst v0;
	s23 =	sshra.s32 s24, $0x2;
	s24 =	sadd.s32 $0x200, s24  }
0x1f: {  	[tilespmem:s23+$0x2870] =	vst v0  }
0x20: {  	[tilespmem:s23+$0x2800] =	vst v0  }
0x21: {  	[tilespmem:s23+$0x2810] =	vst v0  }
0x22: {  	[tilespmem:s23+$0x2820] =	vst v0  }
0x23: {  	[tilespmem:s23+$0x2830] =	vst v0  }
0x24: {  	[tilespmem:s23+$0x2840] =	vst v0  }
0x25: {  	[tilespmem:s23+$0x2850] =	vst v0  }
0x26: {  	[tilespmem:s23+$0x2860] =	vst v0  }
0x27: {  	[spmem:s4] =	stream.linear.scatter [tilespmem:s11], [sflag:$0x1], $0x4000, $0x38;
	[tilespmem:$0x1A800] =	vst v63  }
0x28: {  	_ =	swait.ge [sflag:s12], $0x4000  }
0x29: {  	[sflag:s12] =	ssyncset.done $0x0  }
0x2a: {  	[sflag:s12] =	ssyncadd.s32 $0xFFFFC000  }
0x2b: {  	[spmem:s7] =	stream.linear.scatter [tilespmem:s11], [sflag:$0x1], $0x4000, $0x38;
	[tilespmem:$0x1A800] =	vst v63  }
0x2c: {  	_ =	swait.ge [sflag:s12], $0x4000  }
0x2d: {  	[sflag:s12] =	ssyncset.done $0x0  }
0x2e: {  	[sflag:s12] =	ssyncadd.s32 $0xFFFFC000  }
0x2f: {  	[spmem:s8] =	stream.linear.scatter [tilespmem:s11], [sflag:$0x1], $0x4000, $0x38;
	[tilespmem:$0x1A800] =	vst v63  }
0x30: {  	_ =	swait.ge [sflag:s12], $0x4000  }
0x31: {  	[sflag:s12] =	ssyncset.done $0x0  }
0x32: {  	[sflag:s12] =	ssyncadd.s32 $0xFFFFC000  }
0x33: {  	[spmem:s9] =	stream.linear.scatter [tilespmem:s11], [sflag:$0x1], $0x4000, $0x38;
	[tilespmem:$0x1A800] =	vst v63  }
0x34: {  	_ =	swait.ge [sflag:s12], $0x4000  }
0x35: {  	[sflag:s12] =	ssyncset.done $0x0  }
0x36: {  	[sflag:s12] =	ssyncadd.s32 $0xFFFFC000  }
0x37: {  	[spmem:s10] =	stream.linear.scatter [tilespmem:s11], [sflag:$0x1], $0x4000, $0x38;
	[tilespmem:$0x1A800] =	vst v63  }
0x38: {  	_ =	swait.ge [sflag:s12], $0x4000  }
0x39: {  	[sflag:s12] =	ssyncset.done $0x0  }
0x3a: {  	s23 =	simm.s32 $0x0;
	s24 =	simm.s32 $0x200;
	[sflag:s12] =	ssyncadd.s32 $0xFFFFC000  }
.LBB2_4:
0x3b: {  	p0 =	sne.s32 s24, $0xFE00;
	[tilespmem:s23+$0x2870] =	vst v1  }
0x3c: {  	[tilespmem:s23+$0x2800] =	vst v1  }
0x3d: {  	[tilespmem:s23+$0x2810] =	vst v1  }
.Ltmp1:
0x3e: {  	[tilespmem:s23+$0x2820] =	vst v1;
	(pc) =	sbr.rel @p0 .LBB2_4-.Ltmp1, $4  }
0x3f: {  	[tilespmem:s23+$0x2830] =	vst v1  }
0x40: {  	[tilespmem:s23+$0x2840] =	vst v1  }
0x41: {  	[tilespmem:s23+$0x2850] =	vst v1  }
0x42: {  	[tilespmem:s23+$0x2860] =	vst v1;
	s23 =	sshra.s32 s24, $0x2;
	s24 =	sadd.s32 $0x200, s24  }
0x43: {  	[tilespmem:s23+$0x2870] =	vst v1  }
0x44: {  	[tilespmem:s23+$0x2800] =	vst v1  }
0x45: {  	[tilespmem:s23+$0x2810] =	vst v1  }
0x46: {  	[tilespmem:s23+$0x2820] =	vst v1  }
0x47: {  	[tilespmem:s23+$0x2830] =	vst v1  }
0x48: {  	[tilespmem:s23+$0x2840] =	vst v1  }
0x49: {  	[tilespmem:s23+$0x2850] =	vst v1  }
0x4a: {  	[tilespmem:s23+$0x2860] =	vst v1  }
0x4b: {  	s30 =	simm.s32 $0x0;
	[bflag:$0x0] =	sbarrier.arrive $0xFFFF  }
0x4c: {  	[tilespmem:s30], [sflag:$0x1] =	stream.linear.gather [hbm4b:s5+s30], $0x2800, $0x38;
	[tilespmem:$0x1A800] =	vst v63  }
0x4d: {  	_ =	swait.ge [sflag:s12], $0x2800  }
0x4e: {  	[sflag:s12] =	ssyncset.done $0x0  }
0x4f: {  	s31 =	simm.s32 $0x0;
	[sflag:s12] =	ssyncadd.s32 $0xFFFFD800  }
0x50: {  	[spmem:s2] =	stream.indirect.scatter.add.f32 [tilespmem:s11], [sflag:$0x1], $0x80, s31, s13, $0xb8;
	[tilespmem:$0x1A800] =	vst v63  }
0x51: {  	_ =	swait.ge [sflag:s12], $0x4000  }
0x52: {  	s23 =	simm.s32 $0x200;
	[sflag:s12] =	ssyncset.done $0x0  }
.LBB2_6:
0x53: {  	s24 =	sshra.s32 s23, $0x2;
	[sflag:s12] =	ssyncadd.s32 $0xFFFFC000;
	p0 =	sne.s32 s23, $0x9E00  }
0x54: {  	[spmem:s2] =	stream.indirect.scatter.add.f32 [tilespmem:s11], [sflag:$0x1], $0x80, s24, s13, $0xb8;
	[tilespmem:$0x1A800] =	vst v63  }
.Ltmp2:
0x55: {  	_ = 	snop;
	(pc) =	sbr.rel @p0 .LBB2_6-.Ltmp2, $4  }
0x56: {  	_ = 	snop  }
0x57: {  	s23 =	sadd.s32 $0x200, s23  }
0x58: {  	_ =	swait.ge [sflag:s12], $0x4000  }
0x59: {  	[sflag:s12] =	ssyncset.done $0x0  }
0x5a: {  	[sflag:s12] =	ssyncadd.s32 $0xFFFFC000;
	s23 =	sshll.u32 s0, $0x6  }
0x5b: {  	s24 =	sshrl.u32 s4, $0x3;
	[bflag:$0x0] =	sbarrier.arrive $0xFFFF;
	s23 =	sor.u32 $0x1C01, s23  }
0x5c: {  	[hbm:s14], [sflag:s23] =	dma.local [spmem:s24], $0x800  }
0x5d: {  	_ =	swait.ge [sflag:s12], $0x800  }
0x5e: {  	[sflag:s12] =	ssyncset.done $0x0  }
0x5f: {  	[sflag:s12] =	ssyncadd.s32 $0xFFFFF800  }
0x60: {  	[hbm:s15], [sflag:s23] =	dma.local [spmem:s16], $0x800  }
0x61: {  	_ =	swait.ge [sflag:s12], $0x800  }
0x62: {  	[sflag:s12] =	ssyncset.done $0x0  }
0x63: {  	[sflag:s12] =	ssyncadd.s32 $0xFFFFF800  }
0x64: {  	[hbm:s17], [sflag:s23] =	dma.local [spmem:s18], $0x800  }
0x65: {  	_ =	swait.ge [sflag:s12], $0x800  }
0x66: {  	[sflag:s12] =	ssyncset.done $0x0  }
0x67: {  	[sflag:s12] =	ssyncadd.s32 $0xFFFFF800  }
0x68: {  	[hbm:s19], [sflag:s23] =	dma.local [spmem:s20], $0x800  }
0x69: {  	s3 =	sadd.s32 $0x1, s3;
	_ =	swait.ge [sflag:s12], $0x800  }
0x6a: {  	p0 =	sne.s32 s3, s6;
	[sflag:s12] =	ssyncset.done $0x0  }
.Ltmp3:
0x6b: {  	[sflag:s12] =	ssyncadd.s32 $0xFFFFF800;
	(pc) =	sbr.rel @p0 .LBB2_1-.Ltmp3, $4  }
0x6c: {  	[hbm:s21], [sflag:s23] =	dma.local [spmem:s22], $0x800  }
0x6d: {  	_ =	swait.ge [sflag:s12], $0x800  }
0x6e: {  	[sflag:s12] =	ssyncset.done $0x0  }
0x6f: {  	[sflag:s12] =	ssyncadd.s32 $0xFFFFF800  }
0x70: {  	_ =	sfence.sel $0x180000  }
0x71: {  	[bflag:$0x0] =	sbarrier.arrive $0xFFFF  }
0x72: {  	p0 =	sne.s32 s0, $0x0;
	_ =	strace $0x9000004A  }
0x73: {  	s0 =	sadd.s32 @!p0 $0x100000, s1;
	[bflag:$0x2] =	sbarrier.arrive $0xFFFF  }
0x74: {  	[sflag:s0] =	ssyncadd.tile.s32 @!p0 $0x1;
	_ =	shalt  }
.Lfunc_end2:
_tile_overlayer_lowered:
.L_overlay_start_2:
0x75: {  	(tag) =	ssettag $0x2  }
0x76: {  	s0 =	rddreg [dreg:$0x0];
	s2 =	stileid.u32  }
0x77: {  	s1 =	rddreg [dreg:$0x1];
	p0 =	sne.s32 s2, $0x0  }
0x78: {  	s3 =	rddreg [dreg:$0x2];
	[bflag:$0x3] =	sbarrier.arrive $0xFFFF;
	s2 =	simm.s32 @!p0 $0x1C01  }
0x79: {  	[timem:s3], [sflag:s2] =	dma.local @!p0 [hbm:s0], s1  }
0x7a: {  	s0 =	simm.s32 @!p0 $0x1  }
0x7b: {  	_ =	swait.ge @!p0 [sflag:s0], s1  }
0x7c: {  	s1 =	ssub.s32 @!p0 $0x0, s1;
	[sflag:s0] =	ssyncset.done @!p0 $0x0  }
0x7d: {  	[sflag:s0] =	ssyncadd.s32 @!p0 s1  }
0x7e: {  	[bflag:$0x3] =	sbarrier.arrive $0xFFFF  }
0x7f: {  	_ =	shalt  }

</sc_bundles>
